<compile_context>
chip_gen: v7x
topology: tpu7x:2x2x1
jax: 0.10.2.dev20260603
libtpu: 0.0.44.dev20260713+nightly
codegen_flags: <defaults>
</compile_context>

<pallas_src>
import functools

import jax
import jax.numpy as jnp
from jax import lax
from jax.experimental import pallas as pl
from jax.experimental.pallas import tpu as pltpu
from jax.experimental.pallas import tpu_sc as plsc

NC = 2
NS = 16
CH = 128
SPLIT0 = 65.0 / 160.0


def _deg_call(Npad, na, nb):
    mesh = plsc.VectorSubcoreMesh(
        core_axis_name="c", subcore_axis_name="s",
        num_cores=NC, num_subcores=NS)
    rpt = Npad // NS

    @functools.partial(
        pl.kernel,
        out_type=jax.ShapeDtypeStruct((NC, Npad), jnp.float32),
        mesh=mesh,
        scratch_types=[
            pltpu.VMEM((max(na, nb), CH), jnp.int32),
            pltpu.VMEM((CH,), jnp.float32),
            pltpu.VMEM_SHARED((Npad,), jnp.float32),
        ],
    )
    def deg_kernel(dst0_hbm, dst1_hbm, ones_hbm, zeros_hbm, out_hbm,
                   idx_v, ones_v, acc):
        c = lax.axis_index("c")
        s = lax.axis_index("s")
        r0 = s * rpt
        pltpu.sync_copy(zeros_hbm.at[pl.ds(r0, rpt)], acc.at[pl.ds(r0, rpt)])
        pltpu.sync_copy(ones_hbm, ones_v)

        @pl.when(c == 0)
        def _():
            pltpu.sync_copy(dst0_hbm.at[s], idx_v.at[pl.ds(0, na)])

        @pl.when(c == 1)
        def _():
            pltpu.sync_copy(dst1_hbm.at[s], idx_v.at[pl.ds(0, nb)])

        plsc.subcore_barrier()
        nloc = jnp.where(c == 0, na, nb)

        @pl.loop(0, nloc)
        def _(j):
            pltpu.sync_copy(ones_v, acc.at[idx_v.at[j]], add=True)

        plsc.subcore_barrier()
        pltpu.sync_copy(acc.at[pl.ds(r0, rpt)], out_hbm.at[c, pl.ds(r0, rpt)])

    return deg_kernel


def _agg_call(N, D, Npad, na, nb):
    mesh = plsc.VectorSubcoreMesh(
        core_axis_name="c", subcore_axis_name="s",
        num_cores=NC, num_subcores=NS)
    rpt = Npad // NS

    @functools.partial(
        pl.kernel,
        out_type=jax.ShapeDtypeStruct((NC, Npad, D), jnp.float32),
        mesh=mesh,
        scratch_types=[
            pltpu.VMEM((max(na, nb), CH), jnp.int32),
            pltpu.VMEM((max(na, nb), CH), jnp.int32),
            pltpu.VMEM((CH, D), jnp.float32),
            pltpu.VMEM_SHARED((Npad, D), jnp.float32),
            pltpu.SemaphoreType.DMA,
            pltpu.SemaphoreType.DMA,
        ],
    )
    def agg_kernel(y_hbm, src0_hbm, dst0_hbm, src1_hbm, dst1_hbm,
                   out_hbm, src_v, dst_v, rows_v, acc, gsem, isem):
        c = lax.axis_index("c")
        s = lax.axis_index("s")
        r0 = s * rpt

        @pl.loop(0, CH)
        def _(i):
            for k in range(D // 16):
                rows_v[i, pl.ds(k * 16, 16)] = jnp.zeros((16,), jnp.float32)

        @pl.when(c == 0)
        def _():
            pltpu.async_copy(src0_hbm.at[s], src_v.at[pl.ds(0, na)], isem)
            pltpu.async_copy(dst0_hbm.at[s], dst_v.at[pl.ds(0, na)], isem)

        @pl.when(c == 1)
        def _():
            pltpu.async_copy(src1_hbm.at[s], src_v.at[pl.ds(0, nb)], isem)
            pltpu.async_copy(dst1_hbm.at[s], dst_v.at[pl.ds(0, nb)], isem)

        @pl.loop(0, rpt // CH)
        def _(r):
            pltpu.sync_copy(rows_v, acc.at[pl.ds(r0 + r * CH, CH)])

        @pl.when(c == 0)
        def _():
            pltpu.make_async_copy(src0_hbm.at[s], src_v.at[pl.ds(0, na)],
                                  isem).wait()
            pltpu.make_async_copy(dst0_hbm.at[s], dst_v.at[pl.ds(0, na)],
                                  isem).wait()

        @pl.when(c == 1)
        def _():
            pltpu.make_async_copy(src1_hbm.at[s], src_v.at[pl.ds(0, nb)],
                                  isem).wait()
            pltpu.make_async_copy(dst1_hbm.at[s], dst_v.at[pl.ds(0, nb)],
                                  isem).wait()

        plsc.subcore_barrier()
        nloc = jnp.where(c == 0, na, nb)

        @pl.loop(0, nloc)
        def _(j):
            h = CH // 2
            d1 = pltpu.async_copy(y_hbm.at[src_v.at[j, pl.ds(0, h)]],
                                  rows_v.at[pl.ds(0, h)], gsem)
            d2 = pltpu.async_copy(y_hbm.at[src_v.at[j, pl.ds(h, h)]],
                                  rows_v.at[pl.ds(h, h)], isem)
            d1.wait()
            d2.wait()
            pltpu.sync_copy(rows_v, acc.at[dst_v.at[j]], add=True)

        plsc.subcore_barrier()
        pltpu.sync_copy(acc.at[pl.ds(r0, rpt)], out_hbm.at[c, pl.ds(r0, rpt)])

    return agg_kernel


def _xw_call(N, D, R):
    def body(x_ref, w_ref, y_ref):
        y_ref[...] = jnp.dot(x_ref[...], w_ref[...],
                             preferred_element_type=jnp.float32)

    return pl.pallas_call(
        body,
        grid=(N // R,),
        in_specs=[
            pl.BlockSpec((R, D), lambda i: (i, 0)),
            pl.BlockSpec((D, D), lambda i: (0, 0)),
        ],
        out_specs=pl.BlockSpec((R, D), lambda i: (i, 0)),
        out_shape=jax.ShapeDtypeStruct((N, D), jnp.float32),
    )


def _scale_call(N, D, R):
    def body(xw_ref, deg_ref, y_ref):
        deg = deg_ref[:, 0:1] + deg_ref[:, 1:2] + 1.0
        y_ref[...] = xw_ref[...] * lax.rsqrt(deg)

    return pl.pallas_call(
        body,
        grid=(N // R,),
        in_specs=[
            pl.BlockSpec((R, D), lambda i: (i, 0)),
            pl.BlockSpec((R, NC), lambda i: (i, 0)),
        ],
        out_specs=pl.BlockSpec((R, D), lambda i: (i, 0)),
        out_shape=jax.ShapeDtypeStruct((N, D), jnp.float32),
    )


def _epilogue_call(N, D, R):
    def body(agg_ref, y_ref, x_ref, deg_ref, b_ref, g_ref, bt_ref, a_ref,
             out_ref):
        agg0 = agg_ref[0] + agg_ref[1] + y_ref[...]
        deg = deg_ref[:, 0:1] + deg_ref[:, 1:2] + 1.0
        h = agg0 * lax.rsqrt(deg) + b_ref[...]
        mu = jnp.mean(h, axis=-1, keepdims=True)
        d = h - mu
        var = jnp.mean(d * d, axis=-1, keepdims=True)
        ln = d * lax.rsqrt(var + 1e-5) * g_ref[...] + bt_ref[...]
        out_ref[...] = jnp.where(ln >= 0, ln, a_ref[0, 0] * ln) + x_ref[...]

    return pl.pallas_call(
        body,
        grid=(N // R,),
        in_specs=[
            pl.BlockSpec((NC, R, D), lambda i: (0, i, 0)),
            pl.BlockSpec((R, D), lambda i: (i, 0)),
            pl.BlockSpec((R, D), lambda i: (i, 0)),
            pl.BlockSpec((R, NC), lambda i: (i, 0)),
            pl.BlockSpec((1, D), lambda i: (0, 0)),
            pl.BlockSpec((1, D), lambda i: (0, 0)),
            pl.BlockSpec((1, D), lambda i: (0, 0)),
            pl.BlockSpec((1, 1), lambda i: (0, 0)),
        ],
        out_specs=pl.BlockSpec((R, D), lambda i: (i, 0)),
        out_shape=jax.ShapeDtypeStruct((N, D), jnp.float32),
    )


def kernel(x, edge_index, W, b, ln_gamma, ln_beta, prelu_a):
    N, D = x.shape
    E = edge_index.shape[1]

    Npad = ((N + 1 + 255) // 256) * 256
    tot = -(-E // (NS * CH))
    na = max(1, min(tot - 1, int(round(tot * SPLIT0))))
    nb = tot - na
    Epad = NS * tot * CH

    src = edge_index[0]
    dst = edge_index[1]
    pad = Epad - E
    src_p = jnp.concatenate([src, jnp.zeros((pad,), jnp.int32)])
    dst_p = jnp.concatenate([dst, jnp.full((pad,), N, jnp.int32)])
    cut = NS * na * CH
    src0 = src_p[:cut].reshape(NS, na, CH)
    dst0 = dst_p[:cut].reshape(NS, na, CH)
    src1 = src_p[cut:].reshape(NS, nb, CH)
    dst1 = dst_p[cut:].reshape(NS, nb, CH)

    ones1 = jnp.ones((CH,), jnp.float32)
    zeros1 = jnp.zeros((Npad,), jnp.float32)

    R = 1000
    xw = _xw_call(N, D, R)(x, W)
    deg_p = _deg_call(Npad, na, nb)(dst0, dst1, ones1, zeros1)
    deg_t = deg_p.T
    y = _scale_call(N, D, R)(xw, deg_t)
    agg_p = _agg_call(N, D, Npad, na, nb)(y, src0, dst0, src1, dst1)
    out = _epilogue_call(N, D, R)(
        agg_p, y, x, deg_t,
        b.reshape(1, D), ln_gamma.reshape(1, D), ln_beta.reshape(1, D),
        prelu_a.reshape(1, 1))
    return out

# --- scband reference (transcript-rebuilt; emitter-appended) ---
"""Pipeline reference for scband-residual-gnnlayer-46978352284507 (READ-ONLY COPY).

The authoritative reference and input builder live on the scoring server;
editing this copy changes nothing except your own understanding.
"""

import jax, jax.numpy as jnp
import numpy as np

N_NODES = 10000
N_EDGES = 320000
D = 128


def setup_inputs(seed: int = 0) -> dict:
    key = jax.random.key(seed)
    k1, k2, k3 = jax.random.split(key, 3)
    x = jax.random.normal(k1, (N_NODES, D), dtype=jnp.float32)
    edge_index = jax.random.randint(k2, (2, N_EDGES), 0, N_NODES, dtype=jnp.int32)
    # GCNConv linear weight (glorot-ish init) and bias
    W = jax.random.normal(k3, (D, D), dtype=jnp.float32) * (1.0 / np.sqrt(D))
    b = jnp.zeros((D,), dtype=jnp.float32)
    # LayerNorm params
    ln_gamma = jnp.ones((D,), dtype=jnp.float32)
    ln_beta = jnp.zeros((D,), dtype=jnp.float32)
    # PReLU single shared parameter (torch default init 0.25)
    prelu_a = jnp.full((1,), 0.25, dtype=jnp.float32)
    return {"x": x, "edge_index": edge_index, "W": W, "b": b,
            "ln_gamma": ln_gamma, "ln_beta": ln_beta, "prelu_a": prelu_a}


def _gcn_conv(x, edge_index, W, b):
    N = x.shape[0]
    src = edge_index[0]
    dst = edge_index[1]
    # add self loops
    loop = jnp.arange(N, dtype=src.dtype)
    src = jnp.concatenate([src, loop], axis=0)
    dst = jnp.concatenate([dst, loop], axis=0)
    # linear transform first (PyG GCNConv)
    xw = x @ W
    # symmetric normalization D^{-1/2} (A+I) D^{-1/2}
    ones = jnp.ones(src.shape[0], dtype=x.dtype)
    deg = jax.ops.segment_sum(ones, dst, num_segments=N)
    deg_inv_sqrt = jnp.where(deg > 0, deg ** -0.5, 0.0)
    norm = deg_inv_sqrt[src] * deg_inv_sqrt[dst]
    # gather messages, scale, scatter-add to destination nodes
    msg = xw[src] * norm[:, None]
    agg = jax.ops.segment_sum(msg, dst, num_segments=N)
    return agg + b


def _layer_norm(h, gamma, beta, eps=1e-5):
    mu = jnp.mean(h, axis=-1, keepdims=True)
    var = jnp.mean((h - mu) ** 2, axis=-1, keepdims=True)
    return (h - mu) / jnp.sqrt(var + eps) * gamma + beta


def reference(x, edge_index, W, b, ln_gamma, ln_beta, prelu_a):
    out = _gcn_conv(x, edge_index, W, b)
    out = _layer_norm(out, ln_gamma, ln_beta)
    # PReLU with single shared parameter
    out = jnp.where(out >= 0, out, prelu_a * out)
    # dropout is identity in eval mode
    # in_dim == out_dim -> residual is identity
    return out + x

if __name__ == "__main__":
    import jax
    _d = setup_inputs()
    print(jax.jit(kernel)(*tuple(_d.values())))

</pallas_src>

<mosaic_0001>
#map = affine_map<(d0, d1) -> (0, 0, 0)>
#map1 = affine_map<(d0, d1) -> (0)>
#map2 = affine_map<(d0, d1) -> (0, 0)>
module attributes {stable_mosaic.version = 14 : i64} {
  func.func @deg_kernel(%arg0: i32, %arg1: i32, %arg2: memref<16x64x128xi32, #tpu.memory_space<hbm>>, %arg3: memref<16x93x128xi32, #tpu.memory_space<hbm>>, %arg4: memref<128xf32, #tpu.memory_space<hbm>>, %arg5: memref<10240xf32, #tpu.memory_space<hbm>>, %arg6: memref<2x10240xf32, #tpu.memory_space<hbm>>, %arg7: memref<93x128xi32, #tpu.memory_space<vmem>>, %arg8: memref<128xf32, #tpu.memory_space<vmem>>, %arg9: memref<10240xf32, #tpu.memory_space<vmem_shared>>) attributes {dimension_semantics = [#tpu.dimension_semantics<core_parallel>, #tpu.dimension_semantics<subcore_parallel>], iteration_bounds = array<i64: 2, 16>, scalar_prefetch = 0 : i64, scratch_operands = 3 : i64, tpu.core_type = #tpu.core_type<sc_vector_subcore>, window_params = [{transform_indices = #map}, {transform_indices = #map}, {transform_indices = #map1}, {transform_indices = #map1}, {transform_indices = #map2}]} {
    %mul3A = arith.constant 640 : i32
    %mul3A_0 = arith.muli %arg1, %mul3A : i32
    "tpu.region"() ({
      %run_scoped3A = tpu.sem_alloc : memref<!tpu.dma_semaphore, #tpu.memory_space<semaphore_mem>>
      %dma_start3A = tpu.memref_slice %arg9[%mul3A_0] : memref<10240xf32, #tpu.memory_space<vmem_shared>> -> memref<640xf32, #tpu.memory_space<vmem_shared>>
      %dma_start3A_27 = tpu.memref_slice %arg5[%mul3A_0] : memref<10240xf32, #tpu.memory_space<hbm>> -> memref<640xf32, #tpu.memory_space<hbm>>
      tpu.enqueue_dma source(%dma_start3A_27 : memref<640xf32, #tpu.memory_space<hbm>>) target(%dma_start3A : memref<640xf32, #tpu.memory_space<vmem_shared>>) target_semaphore(%run_scoped3A : memref<!tpu.dma_semaphore, #tpu.memory_space<semaphore_mem>>)
      %dma_wait3A = tpu.memref_slice %arg9[%mul3A_0] : memref<10240xf32, #tpu.memory_space<vmem_shared>> -> memref<640xf32, #tpu.memory_space<vmem_shared>>
      %dma_wait3A_28 = tpu.memref_slice %arg5[%mul3A_0] : memref<10240xf32, #tpu.memory_space<hbm>> -> memref<640xf32, #tpu.memory_space<hbm>>
      tpu.wait_dma2 semaphore(%run_scoped3A : memref<!tpu.dma_semaphore, #tpu.memory_space<semaphore_mem>>) src(%dma_wait3A_28 : memref<640xf32, #tpu.memory_space<hbm>>) dst(%dma_wait3A : memref<640xf32, #tpu.memory_space<vmem_shared>>)
      tpu.yield
    }) : () -> ()
    "tpu.region"() ({
      %run_scoped3A = tpu.sem_alloc : memref<!tpu.dma_semaphore, #tpu.memory_space<semaphore_mem>>
      tpu.enqueue_dma source(%arg4 : memref<128xf32, #tpu.memory_space<hbm>>) target(%arg8 : memref<128xf32, #tpu.memory_space<vmem>>) target_semaphore(%run_scoped3A : memref<!tpu.dma_semaphore, #tpu.memory_space<semaphore_mem>>)
      tpu.wait_dma2 semaphore(%run_scoped3A : memref<!tpu.dma_semaphore, #tpu.memory_space<semaphore_mem>>) src(%arg4 : memref<128xf32, #tpu.memory_space<hbm>>) dst(%arg8 : memref<128xf32, #tpu.memory_space<vmem>>)
      tpu.yield
    }) : () -> ()
    %eq3A = arith.constant 0 : i32
    %eq3A_1 = arith.cmpi eq, %arg0, %eq3A : i32
    %convert_element_type3A = arith.extui %eq3A_1 : i1 to i32
    %cond3A = arith.constant 0 : i32
    %cond3A_2 = arith.cmpi ne, %convert_element_type3A, %cond3A : i32
    scf.if %cond3A_2 {
      "tpu.region"() ({
        %run_scoped3A = tpu.sem_alloc : memref<!tpu.dma_semaphore, #tpu.memory_space<semaphore_mem>>
        %dma_start3A = arith.constant 0 : i32
        %dma_start3A_27 = arith.constant 0 : i32
        %dma_start3A_28 = tpu.memref_slice %arg7[%dma_start3A, %dma_start3A_27] : memref<93x128xi32, #tpu.memory_space<vmem>> -> memref<64x128xi32, #tpu.memory_space<vmem>>
        %dma_start3A_29 = arith.constant 0 : i32
        %dma_start3A_30 = arith.constant 0 : i32
        %dma_start3A_31 = tpu.memref_slice %arg2[%arg1, %dma_start3A_29, %dma_start3A_30] : memref<16x64x128xi32, #tpu.memory_space<hbm>> -> memref<1x64x128xi32, #tpu.memory_space<hbm>>
        %dma_start3A_32 = tpu.memref_squeeze %dma_start3A_31 : memref<1x64x128xi32, #tpu.memory_space<hbm>> -> memref<64x128xi32, #tpu.memory_space<hbm>>
        %dma_start3A_33 = arith.constant 0 : i32
        %dma_start3A_34 = arith.constant 0 : i32
        %dma_start3A_35 = tpu.memref_slice %arg7[%dma_start3A_33, %dma_start3A_34] : memref<93x128xi32, #tpu.memory_space<vmem>> -> memref<64x128xi32, #tpu.memory_space<vmem>>
        %dma_start3A_36 = arith.constant 0 : i32
        %dma_start3A_37 = arith.constant 0 : i32
        %dma_start3A_38 = tpu.memref_slice %arg2[%arg1, %dma_start3A_36, %dma_start3A_37] : memref<16x64x128xi32, #tpu.memory_space<hbm>> -> memref<1x64x128xi32, #tpu.memory_space<hbm>>
        %dma_start3A_39 = tpu.memref_squeeze %dma_start3A_38 : memref<1x64x128xi32, #tpu.memory_space<hbm>> -> memref<64x128xi32, #tpu.memory_space<hbm>>
        tpu.enqueue_dma source(%dma_start3A_39 : memref<64x128xi32, #tpu.memory_space<hbm>>) target(%dma_start3A_35 : memref<64x128xi32, #tpu.memory_space<vmem>>) target_semaphore(%run_scoped3A : memref<!tpu.dma_semaphore, #tpu.memory_space<semaphore_mem>>)
        %dma_wait3A = arith.constant 0 : i32
        %dma_wait3A_40 = arith.constant 0 : i32
        %dma_wait3A_41 = tpu.memref_slice %arg7[%dma_wait3A, %dma_wait3A_40] : memref<93x128xi32, #tpu.memory_space<vmem>> -> memref<64x128xi32, #tpu.memory_space<vmem>>
        %dma_wait3A_42 = arith.constant 0 : i32
        %dma_wait3A_43 = arith.constant 0 : i32
        %dma_wait3A_44 = tpu.memref_slice %arg2[%arg1, %dma_wait3A_42, %dma_wait3A_43] : memref<16x64x128xi32, #tpu.memory_space<hbm>> -> memref<1x64x128xi32, #tpu.memory_space<hbm>>
        %dma_wait3A_45 = tpu.memref_squeeze %dma_wait3A_44 : memref<1x64x128xi32, #tpu.memory_space<hbm>> -> memref<64x128xi32, #tpu.memory_space<hbm>>
        %dma_wait3A_46 = arith.constant 0 : i32
        %dma_wait3A_47 = arith.constant 0 : i32
        %dma_wait3A_48 = tpu.memref_slice %arg7[%dma_wait3A_46, %dma_wait3A_47] : memref<93x128xi32, #tpu.memory_space<vmem>> -> memref<64x128xi32, #tpu.memory_space<vmem>>
        %dma_wait3A_49 = arith.constant 0 : i32
        %dma_wait3A_50 = arith.constant 0 : i32
        %dma_wait3A_51 = tpu.memref_slice %arg2[%arg1, %dma_wait3A_49, %dma_wait3A_50] : memref<16x64x128xi32, #tpu.memory_space<hbm>> -> memref<1x64x128xi32, #tpu.memory_space<hbm>>
        %dma_wait3A_52 = tpu.memref_squeeze %dma_wait3A_51 : memref<1x64x128xi32, #tpu.memory_space<hbm>> -> memref<64x128xi32, #tpu.memory_space<hbm>>
        tpu.wait_dma2 semaphore(%run_scoped3A : memref<!tpu.dma_semaphore, #tpu.memory_space<semaphore_mem>>) src(%dma_wait3A_52 : memref<64x128xi32, #tpu.memory_space<hbm>>) dst(%dma_wait3A_48 : memref<64x128xi32, #tpu.memory_space<vmem>>)
        tpu.yield
      }) : () -> ()
    } else {
    }
    %eq3A_3 = arith.constant 1 : i32
    %eq3A_4 = arith.cmpi eq, %arg0, %eq3A_3 : i32
    %convert_element_type3A_5 = arith.extui %eq3A_4 : i1 to i32
    %cond3A_6 = arith.constant 0 : i32
    %cond3A_7 = arith.cmpi ne, %convert_element_type3A_5, %cond3A_6 : i32
    scf.if %cond3A_7 {
      "tpu.region"() ({
        %run_scoped3A = tpu.sem_alloc : memref<!tpu.dma_semaphore, #tpu.memory_space<semaphore_mem>>
        %dma_start3A = arith.constant 0 : i32
        %dma_start3A_27 = arith.constant 0 : i32
        %dma_start3A_28 = tpu.memref_slice %arg7[%dma_start3A, %dma_start3A_27] : memref<93x128xi32, #tpu.memory_space<vmem>> -> memref<93x128xi32, #tpu.memory_space<vmem>>
        %dma_start3A_29 = arith.constant 0 : i32
        %dma_start3A_30 = arith.constant 0 : i32
        %dma_start3A_31 = tpu.memref_slice %arg3[%arg1, %dma_start3A_29, %dma_start3A_30] : memref<16x93x128xi32, #tpu.memory_space<hbm>> -> memref<1x93x128xi32, #tpu.memory_space<hbm>>
        %dma_start3A_32 = tpu.memref_squeeze %dma_start3A_31 : memref<1x93x128xi32, #tpu.memory_space<hbm>> -> memref<93x128xi32, #tpu.memory_space<hbm>>
        %dma_start3A_33 = arith.constant 0 : i32
        %dma_start3A_34 = arith.constant 0 : i32
        %dma_start3A_35 = tpu.memref_slice %arg7[%dma_start3A_33, %dma_start3A_34] : memref<93x128xi32, #tpu.memory_space<vmem>> -> memref<93x128xi32, #tpu.memory_space<vmem>>
        %dma_start3A_36 = arith.constant 0 : i32
        %dma_start3A_37 = arith.constant 0 : i32
        %dma_start3A_38 = tpu.memref_slice %arg3[%arg1, %dma_start3A_36, %dma_start3A_37] : memref<16x93x128xi32, #tpu.memory_space<hbm>> -> memref<1x93x128xi32, #tpu.memory_space<hbm>>
        %dma_start3A_39 = tpu.memref_squeeze %dma_start3A_38 : memref<1x93x128xi32, #tpu.memory_space<hbm>> -> memref<93x128xi32, #tpu.memory_space<hbm>>
        tpu.enqueue_dma source(%dma_start3A_39 : memref<93x128xi32, #tpu.memory_space<hbm>>) target(%dma_start3A_35 : memref<93x128xi32, #tpu.memory_space<vmem>>) target_semaphore(%run_scoped3A : memref<!tpu.dma_semaphore, #tpu.memory_space<semaphore_mem>>)
        %dma_wait3A = arith.constant 0 : i32
        %dma_wait3A_40 = arith.constant 0 : i32
        %dma_wait3A_41 = tpu.memref_slice %arg7[%dma_wait3A, %dma_wait3A_40] : memref<93x128xi32, #tpu.memory_space<vmem>> -> memref<93x128xi32, #tpu.memory_space<vmem>>
        %dma_wait3A_42 = arith.constant 0 : i32
        %dma_wait3A_43 = arith.constant 0 : i32
        %dma_wait3A_44 = tpu.memref_slice %arg3[%arg1, %dma_wait3A_42, %dma_wait3A_43] : memref<16x93x128xi32, #tpu.memory_space<hbm>> -> memref<1x93x128xi32, #tpu.memory_space<hbm>>
        %dma_wait3A_45 = tpu.memref_squeeze %dma_wait3A_44 : memref<1x93x128xi32, #tpu.memory_space<hbm>> -> memref<93x128xi32, #tpu.memory_space<hbm>>
        %dma_wait3A_46 = arith.constant 0 : i32
        %dma_wait3A_47 = arith.constant 0 : i32
        %dma_wait3A_48 = tpu.memref_slice %arg7[%dma_wait3A_46, %dma_wait3A_47] : memref<93x128xi32, #tpu.memory_space<vmem>> -> memref<93x128xi32, #tpu.memory_space<vmem>>
        %dma_wait3A_49 = arith.constant 0 : i32
        %dma_wait3A_50 = arith.constant 0 : i32
        %dma_wait3A_51 = tpu.memref_slice %arg3[%arg1, %dma_wait3A_49, %dma_wait3A_50] : memref<16x93x128xi32, #tpu.memory_space<hbm>> -> memref<1x93x128xi32, #tpu.memory_space<hbm>>
        %dma_wait3A_52 = tpu.memref_squeeze %dma_wait3A_51 : memref<1x93x128xi32, #tpu.memory_space<hbm>> -> memref<93x128xi32, #tpu.memory_space<hbm>>
        tpu.wait_dma2 semaphore(%run_scoped3A : memref<!tpu.dma_semaphore, #tpu.memory_space<semaphore_mem>>) src(%dma_wait3A_52 : memref<93x128xi32, #tpu.memory_space<hbm>>) dst(%dma_wait3A_48 : memref<93x128xi32, #tpu.memory_space<vmem>>)
        tpu.yield
      }) : () -> ()
    } else {
    }
    %barrier3A = arith.constant 0 : index
    tpu.barrier barrier_id(%barrier3A)
    %eq3A_8 = arith.constant 0 : i32
    %eq3A_9 = arith.cmpi eq, %arg0, %eq3A_8 : i32
    %jit3A = arith.constant 64 : i32
    %jit3A_10 = arith.constant 93 : i32
    %select_n3A = arith.select %eq3A_9, %jit3A, %jit3A_10 : i32
    %sub3A = arith.constant 0 : i32
    %sub3A_11 = arith.subi %select_n3A, %sub3A : i32
    %sub3A_12 = arith.constant 1 : i32
    %sub3A_13 = arith.constant 1 : i32
    %sub3A_14 = arith.subi %sub3A_12, %sub3A_13 : i32
    %add3A = arith.addi %sub3A_11, %sub3A_14 : i32
    %div3A = arith.constant 1 : i32
    %div3A_15 = arith.divsi %add3A, %div3A : i32
    %while3A = arith.constant 1 : i32
    %while3A_16 = arith.constant 0 : i32
    %while3A_17 = arith.constant 0 : i32
    %while3A_18 = arith.subi %div3A_15, %while3A_17 : i32
    %while3A_19 = arith.addi %while3A_17, %while3A_18 : i32
    %while3A_20 = arith.constant 1 : i32
    %while3A_21 = arith.divsi %while3A_18, %while3A_20 : i32
    %while3A_22 = arith.muli %while3A_21, %while3A_20 : i32
    %while3A_23 = arith.addi %while3A_17, %while3A_22 : i32
    %while3A_24 = arith.constant 1 : i32
    scf.for %while3A_27 = %while3A_17 to %while3A_23 step %while3A_24  : i32 {
      %mul3A_28 = arith.muli %while3A_27, %while3A : i32
      %add3A_29 = arith.addi %while3A_16, %mul3A_28 : i32
      "tpu.region"() ({
        %run_scoped3A = tpu.sem_alloc : memref<!tpu.dma_semaphore, #tpu.memory_space<semaphore_mem>>
        %dma_start3A = arith.constant 0 : i32
        %dma_start3A_30 = tpu.memref_slice %arg7[%add3A_29, %dma_start3A] : memref<93x128xi32, #tpu.memory_space<vmem>> -> memref<1x128xi32, #tpu.memory_space<vmem>>
        %dma_start3A_31 = tpu.memref_squeeze %dma_start3A_30 : memref<1x128xi32, #tpu.memory_space<vmem>> -> memref<128xi32, #tpu.memory_space<vmem>>
        %dma_start3A_32 = arith.constant 0 : i32
        %dma_start3A_33 = tpu.memref_slice %arg9[%dma_start3A_32] : memref<10240xf32, #tpu.memory_space<vmem_shared>> -> memref<10240xf32, #tpu.memory_space<vmem_shared>>
        tpu.enqueue_indirect_dma source(%arg8 : memref<128xf32, #tpu.memory_space<vmem>>) target(%dma_start3A_33 : memref<10240xf32, #tpu.memory_space<vmem_shared>>) offsets(%dma_start3A_31 : memref<128xi32, #tpu.memory_space<vmem>>) semaphore(%run_scoped3A : memref<!tpu.dma_semaphore, #tpu.memory_space<semaphore_mem>>) {add = true}
        %dma_wait3A = arith.constant 0 : i32
        %dma_wait3A_34 = tpu.memref_slice %arg7[%add3A_29, %dma_wait3A] : memref<93x128xi32, #tpu.memory_space<vmem>> -> memref<1x128xi32, #tpu.memory_space<vmem>>
        %dma_wait3A_35 = tpu.memref_squeeze %dma_wait3A_34 : memref<1x128xi32, #tpu.memory_space<vmem>> -> memref<128xi32, #tpu.memory_space<vmem>>
        %dma_wait3A_36 = arith.constant 0 : i32
        %dma_wait3A_37 = tpu.memref_slice %arg9[%dma_wait3A_36] : memref<10240xf32, #tpu.memory_space<vmem_shared>> -> memref<10240xf32, #tpu.memory_space<vmem_shared>>
        tpu.wait_indirect_dma semaphore(%run_scoped3A : memref<!tpu.dma_semaphore, #tpu.memory_space<semaphore_mem>>) src(%arg8 : memref<128xf32, #tpu.memory_space<vmem>>) dst(%dma_wait3A_37 : memref<10240xf32, #tpu.memory_space<vmem_shared>>)
        tpu.yield
      }) : () -> ()
    }
    %while3A_25 = arith.constant 1 : i32
    scf.for %while3A_27 = %while3A_23 to %while3A_19 step %while3A_25  : i32 {
      %mul3A_28 = arith.muli %while3A_27, %while3A : i32
      %add3A_29 = arith.addi %while3A_16, %mul3A_28 : i32
      "tpu.region"() ({
        %run_scoped3A = tpu.sem_alloc : memref<!tpu.dma_semaphore, #tpu.memory_space<semaphore_mem>>
        %dma_start3A = arith.constant 0 : i32
        %dma_start3A_30 = tpu.memref_slice %arg7[%add3A_29, %dma_start3A] : memref<93x128xi32, #tpu.memory_space<vmem>> -> memref<1x128xi32, #tpu.memory_space<vmem>>
        %dma_start3A_31 = tpu.memref_squeeze %dma_start3A_30 : memref<1x128xi32, #tpu.memory_space<vmem>> -> memref<128xi32, #tpu.memory_space<vmem>>
        %dma_start3A_32 = arith.constant 0 : i32
        %dma_start3A_33 = tpu.memref_slice %arg9[%dma_start3A_32] : memref<10240xf32, #tpu.memory_space<vmem_shared>> -> memref<10240xf32, #tpu.memory_space<vmem_shared>>
        tpu.enqueue_indirect_dma source(%arg8 : memref<128xf32, #tpu.memory_space<vmem>>) target(%dma_start3A_33 : memref<10240xf32, #tpu.memory_space<vmem_shared>>) offsets(%dma_start3A_31 : memref<128xi32, #tpu.memory_space<vmem>>) semaphore(%run_scoped3A : memref<!tpu.dma_semaphore, #tpu.memory_space<semaphore_mem>>) {add = true}
        %dma_wait3A = arith.constant 0 : i32
        %dma_wait3A_34 = tpu.memref_slice %arg7[%add3A_29, %dma_wait3A] : memref<93x128xi32, #tpu.memory_space<vmem>> -> memref<1x128xi32, #tpu.memory_space<vmem>>
        %dma_wait3A_35 = tpu.memref_squeeze %dma_wait3A_34 : memref<1x128xi32, #tpu.memory_space<vmem>> -> memref<128xi32, #tpu.memory_space<vmem>>
        %dma_wait3A_36 = arith.constant 0 : i32
        %dma_wait3A_37 = tpu.memref_slice %arg9[%dma_wait3A_36] : memref<10240xf32, #tpu.memory_space<vmem_shared>> -> memref<10240xf32, #tpu.memory_space<vmem_shared>>
        tpu.wait_indirect_dma semaphore(%run_scoped3A : memref<!tpu.dma_semaphore, #tpu.memory_space<semaphore_mem>>) src(%arg8 : memref<128xf32, #tpu.memory_space<vmem>>) dst(%dma_wait3A_37 : memref<10240xf32, #tpu.memory_space<vmem_shared>>)
        tpu.yield
      }) : () -> ()
    }
    %barrier3A_26 = arith.constant 0 : index
    tpu.barrier barrier_id(%barrier3A_26)
    "tpu.region"() ({
      %run_scoped3A = tpu.sem_alloc : memref<!tpu.dma_semaphore, #tpu.memory_space<semaphore_mem>>
      %dma_start3A = tpu.memref_slice %arg6[%arg0, %mul3A_0] : memref<2x10240xf32, #tpu.memory_space<hbm>> -> memref<1x640xf32, #tpu.memory_space<hbm>>
      %dma_start3A_27 = tpu.memref_squeeze %dma_start3A : memref<1x640xf32, #tpu.memory_space<hbm>> -> memref<640xf32, #tpu.memory_space<hbm>>
      %dma_start3A_28 = tpu.memref_slice %arg9[%mul3A_0] : memref<10240xf32, #tpu.memory_space<vmem_shared>> -> memref<640xf32, #tpu.memory_space<vmem_shared>>
      tpu.enqueue_dma source(%dma_start3A_28 : memref<640xf32, #tpu.memory_space<vmem_shared>>) target(%dma_start3A_27 : memref<640xf32, #tpu.memory_space<hbm>>) target_semaphore(%run_scoped3A : memref<!tpu.dma_semaphore, #tpu.memory_space<semaphore_mem>>)
      %dma_wait3A = tpu.memref_slice %arg6[%arg0, %mul3A_0] : memref<2x10240xf32, #tpu.memory_space<hbm>> -> memref<1x640xf32, #tpu.memory_space<hbm>>
      %dma_wait3A_29 = tpu.memref_squeeze %dma_wait3A : memref<1x640xf32, #tpu.memory_space<hbm>> -> memref<640xf32, #tpu.memory_space<hbm>>
      %dma_wait3A_30 = tpu.memref_slice %arg9[%mul3A_0] : memref<10240xf32, #tpu.memory_space<vmem_shared>> -> memref<640xf32, #tpu.memory_space<vmem_shared>>
      tpu.wait_dma2 semaphore(%run_scoped3A : memref<!tpu.dma_semaphore, #tpu.memory_space<semaphore_mem>>) src(%dma_wait3A_30 : memref<640xf32, #tpu.memory_space<vmem_shared>>) dst(%dma_wait3A_29 : memref<640xf32, #tpu.memory_space<hbm>>)
      tpu.yield
    }) : () -> ()
    return
  }
}

#map = affine_map<(d0, d1) -> (0, 0)>
#map1 = affine_map<(d0, d1) -> (0, 0, 0)>
module attributes {stable_mosaic.version = 14 : i64} {
  func.func @agg_kernel(%arg0: i32, %arg1: i32, %arg2: memref<10000x128xf32, #tpu.memory_space<hbm>>, %arg3: memref<16x64x128xi32, #tpu.memory_space<hbm>>, %arg4: memref<16x64x128xi32, #tpu.memory_space<hbm>>, %arg5: memref<16x93x128xi32, #tpu.memory_space<hbm>>, %arg6: memref<16x93x128xi32, #tpu.memory_space<hbm>>, %arg7: memref<2x10240x128xf32, #tpu.memory_space<hbm>>, %arg8: memref<93x128xi32, #tpu.memory_space<vmem>>, %arg9: memref<93x128xi32, #tpu.memory_space<vmem>>, %arg10: memref<128x128xf32, #tpu.memory_space<vmem>>, %arg11: memref<10240x128xf32, #tpu.memory_space<vmem_shared>>, %arg12: memref<!tpu.dma_semaphore, #tpu.memory_space<semaphore_mem>>, %arg13: memref<!tpu.dma_semaphore, #tpu.memory_space<semaphore_mem>>) attributes {dimension_semantics = [#tpu.dimension_semantics<core_parallel>, #tpu.dimension_semantics<subcore_parallel>], iteration_bounds = array<i64: 2, 16>, scalar_prefetch = 0 : i64, scratch_operands = 6 : i64, tpu.core_type = #tpu.core_type<sc_vector_subcore>, window_params = [{transform_indices = #map}, {transform_indices = #map1}, {transform_indices = #map1}, {transform_indices = #map1}, {transform_indices = #map1}, {transform_indices = #map1}]} {
    %mul3A = arith.constant 640 : i32
    %mul3A_0 = arith.muli %arg1, %mul3A : i32
    %scan3A = arith.constant 0 : i32
    %scan3A_1 = arith.constant 128 : i32
    %scan3A_2 = arith.addi %scan3A, %scan3A_1 : i32
    %scan3A_3 = arith.constant 1 : i32
    scf.for %scan3A_46 = %scan3A to %scan3A_2 step %scan3A_3  : i32 {
      %mul3A_47 = arith.constant 1 : i32
      %mul3A_48 = arith.muli %scan3A_46, %mul3A_47 : i32
      %add3A_49 = arith.constant 0 : i32
      %add3A_50 = arith.addi %add3A_49, %mul3A_48 : i32
      %broadcast_in_dim3A = arith.constant 0.000000e+00 : f32
      %broadcast_in_dim3A_51 = vector.broadcast %broadcast_in_dim3A : f32 to vector<16xf32>
      %swap3A = arith.index_cast %add3A_50 : i32 to index
      %swap3A_52 = arith.constant 0 : index
      %swap3A_53 = tpu.vector_load %arg10[%swap3A, %swap3A_52] {strides = array<i32>} : memref<128x128xf32, #tpu.memory_space<vmem>>, vector<1x16xf32>,
      %swap3A_54 = vector.shape_cast %swap3A_53 : vector<1x16xf32> to vector<16xf32>
      %swap3A_55 = vector.shape_cast %broadcast_in_dim3A_51 : vector<16xf32> to vector<1x16xf32>
      tpu.vector_store %arg10[%swap3A, %swap3A_52], %swap3A_55 {strides = array<i32>} : memref<128x128xf32, #tpu.memory_space<vmem>>, vector<1x16xf32>,
      %broadcast_in_dim3A_56 = arith.constant 0.000000e+00 : f32
      %broadcast_in_dim3A_57 = vector.broadcast %broadcast_in_dim3A_56 : f32 to vector<16xf32>
      %swap3A_58 = arith.index_cast %add3A_50 : i32 to index
      %swap3A_59 = arith.constant 16 : index
      %swap3A_60 = tpu.vector_load %arg10[%swap3A_58, %swap3A_59] {strides = array<i32>} : memref<128x128xf32, #tpu.memory_space<vmem>>, vector<1x16xf32>,
      %swap3A_61 = vector.shape_cast %swap3A_60 : vector<1x16xf32> to vector<16xf32>
      %swap3A_62 = vector.shape_cast %broadcast_in_dim3A_57 : vector<16xf32> to vector<1x16xf32>
      tpu.vector_store %arg10[%swap3A_58, %swap3A_59], %swap3A_62 {strides = array<i32>} : memref<128x128xf32, #tpu.memory_space<vmem>>, vector<1x16xf32>,
      %broadcast_in_dim3A_63 = arith.constant 0.000000e+00 : f32
      %broadcast_in_dim3A_64 = vector.broadcast %broadcast_in_dim3A_63 : f32 to vector<16xf32>
      %swap3A_65 = arith.index_cast %add3A_50 : i32 to index
      %swap3A_66 = arith.constant 32 : index
      %swap3A_67 = tpu.vector_load %arg10[%swap3A_65, %swap3A_66] {strides = array<i32>} : memref<128x128xf32, #tpu.memory_space<vmem>>, vector<1x16xf32>,
      %swap3A_68 = vector.shape_cast %swap3A_67 : vector<1x16xf32> to vector<16xf32>
      %swap3A_69 = vector.shape_cast %broadcast_in_dim3A_64 : vector<16xf32> to vector<1x16xf32>
      tpu.vector_store %arg10[%swap3A_65, %swap3A_66], %swap3A_69 {strides = array<i32>} : memref<128x128xf32, #tpu.memory_space<vmem>>, vector<1x16xf32>,
      %broadcast_in_dim3A_70 = arith.constant 0.000000e+00 : f32
      %broadcast_in_dim3A_71 = vector.broadcast %broadcast_in_dim3A_70 : f32 to vector<16xf32>
      %swap3A_72 = arith.index_cast %add3A_50 : i32 to index
      %swap3A_73 = arith.constant 48 : index
      %swap3A_74 = tpu.vector_load %arg10[%swap3A_72, %swap3A_73] {strides = array<i32>} : memref<128x128xf32, #tpu.memory_space<vmem>>, vector<1x16xf32>,
      %swap3A_75 = vector.shape_cast %swap3A_74 : vector<1x16xf32> to vector<16xf32>
      %swap3A_76 = vector.shape_cast %broadcast_in_dim3A_71 : vector<16xf32> to vector<1x16xf32>
      tpu.vector_store %arg10[%swap3A_72, %swap3A_73], %swap3A_76 {strides = array<i32>} : memref<128x128xf32, #tpu.memory_space<vmem>>, vector<1x16xf32>,
      %broadcast_in_dim3A_77 = arith.constant 0.000000e+00 : f32
      %broadcast_in_dim3A_78 = vector.broadcast %broadcast_in_dim3A_77 : f32 to vector<16xf32>
      %swap3A_79 = arith.index_cast %add3A_50 : i32 to index
      %swap3A_80 = arith.constant 64 : index
      %swap3A_81 = tpu.vector_load %arg10[%swap3A_79, %swap3A_80] {strides = array<i32>} : memref<128x128xf32, #tpu.memory_space<vmem>>, vector<1x16xf32>,
      %swap3A_82 = vector.shape_cast %swap3A_81 : vector<1x16xf32> to vector<16xf32>
      %swap3A_83 = vector.shape_cast %broadcast_in_dim3A_78 : vector<16xf32> to vector<1x16xf32>
      tpu.vector_store %arg10[%swap3A_79, %swap3A_80], %swap3A_83 {strides = array<i32>} : memref<128x128xf32, #tpu.memory_space<vmem>>, vector<1x16xf32>,
      %broadcast_in_dim3A_84 = arith.constant 0.000000e+00 : f32
      %broadcast_in_dim3A_85 = vector.broadcast %broadcast_in_dim3A_84 : f32 to vector<16xf32>
      %swap3A_86 = arith.index_cast %add3A_50 : i32 to index
      %swap3A_87 = arith.constant 80 : index
      %swap3A_88 = tpu.vector_load %arg10[%swap3A_86, %swap3A_87] {strides = array<i32>} : memref<128x128xf32, #tpu.memory_space<vmem>>, vector<1x16xf32>,
      %swap3A_89 = vector.shape_cast %swap3A_88 : vector<1x16xf32> to vector<16xf32>
      %swap3A_90 = vector.shape_cast %broadcast_in_dim3A_85 : vector<16xf32> to vector<1x16xf32>
      tpu.vector_store %arg10[%swap3A_86, %swap3A_87], %swap3A_90 {strides = array<i32>} : memref<128x128xf32, #tpu.memory_space<vmem>>, vector<1x16xf32>,
      %broadcast_in_dim3A_91 = arith.constant 0.000000e+00 : f32
      %broadcast_in_dim3A_92 = vector.broadcast %broadcast_in_dim3A_91 : f32 to vector<16xf32>
      %swap3A_93 = arith.index_cast %add3A_50 : i32 to index
      %swap3A_94 = arith.constant 96 : index
      %swap3A_95 = tpu.vector_load %arg10[%swap3A_93, %swap3A_94] {strides = array<i32>} : memref<128x128xf32, #tpu.memory_space<vmem>>, vector<1x16xf32>,
      %swap3A_96 = vector.shape_cast %swap3A_95 : vector<1x16xf32> to vector<16xf32>
      %swap3A_97 = vector.shape_cast %broadcast_in_dim3A_92 : vector<16xf32> to vector<1x16xf32>
      tpu.vector_store %arg10[%swap3A_93, %swap3A_94], %swap3A_97 {strides = array<i32>} : memref<128x128xf32, #tpu.memory_space<vmem>>, vector<1x16xf32>,
      %broadcast_in_dim3A_98 = arith.constant 0.000000e+00 : f32
      %broadcast_in_dim3A_99 = vector.broadcast %broadcast_in_dim3A_98 : f32 to vector<16xf32>
      %swap3A_100 = arith.index_cast %add3A_50 : i32 to index
      %swap3A_101 = arith.constant 112 : index
      %swap3A_102 = tpu.vector_load %arg10[%swap3A_100, %swap3A_101] {strides = array<i32>} : memref<128x128xf32, #tpu.memory_space<vmem>>, vector<1x16xf32>,
      %swap3A_103 = vector.shape_cast %swap3A_102 : vector<1x16xf32> to vector<16xf32>
      %swap3A_104 = vector.shape_cast %broadcast_in_dim3A_99 : vector<16xf32> to vector<1x16xf32>
      tpu.vector_store %arg10[%swap3A_100, %swap3A_101], %swap3A_104 {strides = array<i32>} : memref<128x128xf32, #tpu.memory_space<vmem>>, vector<1x16xf32>,
    }
    %scan3A_4 = arith.constant 128 : i32
    %eq3A = arith.constant 0 : i32
    %eq3A_5 = arith.cmpi eq, %arg0, %eq3A : i32
    %convert_element_type3A = arith.extui %eq3A_5 : i1 to i32
    %cond3A = arith.constant 0 : i32
    %cond3A_6 = arith.cmpi ne, %convert_element_type3A, %cond3A : i32
    scf.if %cond3A_6 {
      %dma_start3A = arith.constant 0 : i32
      %dma_start3A_46 = arith.constant 0 : i32
      %dma_start3A_47 = tpu.memref_slice %arg8[%dma_start3A, %dma_start3A_46] : memref<93x128xi32, #tpu.memory_space<vmem>> -> memref<64x128xi32, #tpu.memory_space<vmem>>
      %dma_start3A_48 = arith.constant 0 : i32
      %dma_start3A_49 = arith.constant 0 : i32
      %dma_start3A_50 = tpu.memref_slice %arg3[%arg1, %dma_start3A_48, %dma_start3A_49] : memref<16x64x128xi32, #tpu.memory_space<hbm>> -> memref<1x64x128xi32, #tpu.memory_space<hbm>>
      %dma_start3A_51 = tpu.memref_squeeze %dma_start3A_50 : memref<1x64x128xi32, #tpu.memory_space<hbm>> -> memref<64x128xi32, #tpu.memory_space<hbm>>
      %dma_start3A_52 = arith.constant 0 : i32
      %dma_start3A_53 = arith.constant 0 : i32
      %dma_start3A_54 = tpu.memref_slice %arg8[%dma_start3A_52, %dma_start3A_53] : memref<93x128xi32, #tpu.memory_space<vmem>> -> memref<64x128xi32, #tpu.memory_space<vmem>>
      %dma_start3A_55 = arith.constant 0 : i32
      %dma_start3A_56 = arith.constant 0 : i32
      %dma_start3A_57 = tpu.memref_slice %arg3[%arg1, %dma_start3A_55, %dma_start3A_56] : memref<16x64x128xi32, #tpu.memory_space<hbm>> -> memref<1x64x128xi32, #tpu.memory_space<hbm>>
      %dma_start3A_58 = tpu.memref_squeeze %dma_start3A_57 : memref<1x64x128xi32, #tpu.memory_space<hbm>> -> memref<64x128xi32, #tpu.memory_space<hbm>>
      tpu.enqueue_dma source(%dma_start3A_58 : memref<64x128xi32, #tpu.memory_space<hbm>>) target(%dma_start3A_54 : memref<64x128xi32, #tpu.memory_space<vmem>>) target_semaphore(%arg13 : memref<!tpu.dma_semaphore, #tpu.memory_space<semaphore_mem>>)
      %dma_start3A_59 = arith.constant 0 : i32
      %dma_start3A_60 = arith.constant 0 : i32
      %dma_start3A_61 = tpu.memref_slice %arg9[%dma_start3A_59, %dma_start3A_60] : memref<93x128xi32, #tpu.memory_space<vmem>> -> memref<64x128xi32, #tpu.memory_space<vmem>>
      %dma_start3A_62 = arith.constant 0 : i32
      %dma_start3A_63 = arith.constant 0 : i32
      %dma_start3A_64 = tpu.memref_slice %arg4[%arg1, %dma_start3A_62, %dma_start3A_63] : memref<16x64x128xi32, #tpu.memory_space<hbm>> -> memref<1x64x128xi32, #tpu.memory_space<hbm>>
      %dma_start3A_65 = tpu.memref_squeeze %dma_start3A_64 : memref<1x64x128xi32, #tpu.memory_space<hbm>> -> memref<64x128xi32, #tpu.memory_space<hbm>>
      %dma_start3A_66 = arith.constant 0 : i32
      %dma_start3A_67 = arith.constant 0 : i32
      %dma_start3A_68 = tpu.memref_slice %arg9[%dma_start3A_66, %dma_start3A_67] : memref<93x128xi32, #tpu.memory_space<vmem>> -> memref<64x128xi32, #tpu.memory_space<vmem>>
      %dma_start3A_69 = arith.constant 0 : i32
      %dma_start3A_70 = arith.constant 0 : i32
      %dma_start3A_71 = tpu.memref_slice %arg4[%arg1, %dma_start3A_69, %dma_start3A_70] : memref<16x64x128xi32, #tpu.memory_space<hbm>> -> memref<1x64x128xi32, #tpu.memory_space<hbm>>
      %dma_start3A_72 = tpu.memref_squeeze %dma_start3A_71 : memref<1x64x128xi32, #tpu.memory_space<hbm>> -> memref<64x128xi32, #tpu.memory_space<hbm>>
      tpu.enqueue_dma source(%dma_start3A_72 : memref<64x128xi32, #tpu.memory_space<hbm>>) target(%dma_start3A_68 : memref<64x128xi32, #tpu.memory_space<vmem>>) target_semaphore(%arg13 : memref<!tpu.dma_semaphore, #tpu.memory_space<semaphore_mem>>)
    } else {
    }
    %eq3A_7 = arith.constant 1 : i32
    %eq3A_8 = arith.cmpi eq, %arg0, %eq3A_7 : i32
    %convert_element_type3A_9 = arith.extui %eq3A_8 : i1 to i32
    %cond3A_10 = arith.constant 0 : i32
    %cond3A_11 = arith.cmpi ne, %convert_element_type3A_9, %cond3A_10 : i32
    scf.if %cond3A_11 {
      %dma_start3A = arith.constant 0 : i32
      %dma_start3A_46 = arith.constant 0 : i32
      %dma_start3A_47 = tpu.memref_slice %arg8[%dma_start3A, %dma_start3A_46] : memref<93x128xi32, #tpu.memory_space<vmem>> -> memref<93x128xi32, #tpu.memory_space<vmem>>
      %dma_start3A_48 = arith.constant 0 : i32
      %dma_start3A_49 = arith.constant 0 : i32
      %dma_start3A_50 = tpu.memref_slice %arg5[%arg1, %dma_start3A_48, %dma_start3A_49] : memref<16x93x128xi32, #tpu.memory_space<hbm>> -> memref<1x93x128xi32, #tpu.memory_space<hbm>>
      %dma_start3A_51 = tpu.memref_squeeze %dma_start3A_50 : memref<1x93x128xi32, #tpu.memory_space<hbm>> -> memref<93x128xi32, #tpu.memory_space<hbm>>
      %dma_start3A_52 = arith.constant 0 : i32
      %dma_start3A_53 = arith.constant 0 : i32
      %dma_start3A_54 = tpu.memref_slice %arg8[%dma_start3A_52, %dma_start3A_53] : memref<93x128xi32, #tpu.memory_space<vmem>> -> memref<93x128xi32, #tpu.memory_space<vmem>>
      %dma_start3A_55 = arith.constant 0 : i32
      %dma_start3A_56 = arith.constant 0 : i32
      %dma_start3A_57 = tpu.memref_slice %arg5[%arg1, %dma_start3A_55, %dma_start3A_56] : memref<16x93x128xi32, #tpu.memory_space<hbm>> -> memref<1x93x128xi32, #tpu.memory_space<hbm>>
      %dma_start3A_58 = tpu.memref_squeeze %dma_start3A_57 : memref<1x93x128xi32, #tpu.memory_space<hbm>> -> memref<93x128xi32, #tpu.memory_space<hbm>>
      tpu.enqueue_dma source(%dma_start3A_58 : memref<93x128xi32, #tpu.memory_space<hbm>>) target(%dma_start3A_54 : memref<93x128xi32, #tpu.memory_space<vmem>>) target_semaphore(%arg13 : memref<!tpu.dma_semaphore, #tpu.memory_space<semaphore_mem>>)
      %dma_start3A_59 = arith.constant 0 : i32
      %dma_start3A_60 = arith.constant 0 : i32
      %dma_start3A_61 = tpu.memref_slice %arg9[%dma_start3A_59, %dma_start3A_60] : memref<93x128xi32, #tpu.memory_space<vmem>> -> memref<93x128xi32, #tpu.memory_space<vmem>>
      %dma_start3A_62 = arith.constant 0 : i32
      %dma_start3A_63 = arith.constant 0 : i32
      %dma_start3A_64 = tpu.memref_slice %arg6[%arg1, %dma_start3A_62, %dma_start3A_63] : memref<16x93x128xi32, #tpu.memory_space<hbm>> -> memref<1x93x128xi32, #tpu.memory_space<hbm>>
      %dma_start3A_65 = tpu.memref_squeeze %dma_start3A_64 : memref<1x93x128xi32, #tpu.memory_space<hbm>> -> memref<93x128xi32, #tpu.memory_space<hbm>>
      %dma_start3A_66 = arith.constant 0 : i32
      %dma_start3A_67 = arith.constant 0 : i32
      %dma_start3A_68 = tpu.memref_slice %arg9[%dma_start3A_66, %dma_start3A_67] : memref<93x128xi32, #tpu.memory_space<vmem>> -> memref<93x128xi32, #tpu.memory_space<vmem>>
      %dma_start3A_69 = arith.constant 0 : i32
      %dma_start3A_70 = arith.constant 0 : i32
      %dma_start3A_71 = tpu.memref_slice %arg6[%arg1, %dma_start3A_69, %dma_start3A_70] : memref<16x93x128xi32, #tpu.memory_space<hbm>> -> memref<1x93x128xi32, #tpu.memory_space<hbm>>
      %dma_start3A_72 = tpu.memref_squeeze %dma_start3A_71 : memref<1x93x128xi32, #tpu.memory_space<hbm>> -> memref<93x128xi32, #tpu.memory_space<hbm>>
      tpu.enqueue_dma source(%dma_start3A_72 : memref<93x128xi32, #tpu.memory_space<hbm>>) target(%dma_start3A_68 : memref<93x128xi32, #tpu.memory_space<vmem>>) target_semaphore(%arg13 : memref<!tpu.dma_semaphore, #tpu.memory_space<semaphore_mem>>)
    } else {
    }
    %scan3A_12 = arith.constant 0 : i32
    %scan3A_13 = arith.constant 5 : i32
    %scan3A_14 = arith.addi %scan3A_12, %scan3A_13 : i32
    %scan3A_15 = arith.constant 1 : i32
    scf.for %scan3A_46 = %scan3A_12 to %scan3A_14 step %scan3A_15  : i32 {
      %mul3A_47 = arith.constant 1 : i32
      %mul3A_48 = arith.muli %scan3A_46, %mul3A_47 : i32
      %add3A_49 = arith.constant 0 : i32
      %add3A_50 = arith.addi %add3A_49, %mul3A_48 : i32
      %mul3A_51 = arith.constant 128 : i32
      %mul3A_52 = arith.muli %add3A_50, %mul3A_51 : i32
      %add3A_53 = arith.addi %mul3A_0, %mul3A_52 : i32
      "tpu.region"() ({
        %run_scoped3A = tpu.sem_alloc : memref<!tpu.dma_semaphore, #tpu.memory_space<semaphore_mem>>
        %dma_start3A = arith.constant 0 : i32
        %dma_start3A_54 = tpu.memref_slice %arg11[%add3A_53, %dma_start3A] : memref<10240x128xf32, #tpu.memory_space<vmem_shared>> -> memref<128x128xf32, #tpu.memory_space<vmem_shared>>
        %dma_start3A_55 = arith.constant 0 : i32
        %dma_start3A_56 = tpu.memref_slice %arg11[%add3A_53, %dma_start3A_55] : memref<10240x128xf32, #tpu.memory_space<vmem_shared>> -> memref<128x128xf32, #tpu.memory_space<vmem_shared>>
        tpu.enqueue_dma source(%arg10 : memref<128x128xf32, #tpu.memory_space<vmem>>) target(%dma_start3A_56 : memref<128x128xf32, #tpu.memory_space<vmem_shared>>) target_semaphore(%run_scoped3A : memref<!tpu.dma_semaphore, #tpu.memory_space<semaphore_mem>>)
        %dma_wait3A = arith.constant 0 : i32
        %dma_wait3A_57 = tpu.memref_slice %arg11[%add3A_53, %dma_wait3A] : memref<10240x128xf32, #tpu.memory_space<vmem_shared>> -> memref<128x128xf32, #tpu.memory_space<vmem_shared>>
        %dma_wait3A_58 = arith.constant 0 : i32
        %dma_wait3A_59 = tpu.memref_slice %arg11[%add3A_53, %dma_wait3A_58] : memref<10240x128xf32, #tpu.memory_space<vmem_shared>> -> memref<128x128xf32, #tpu.memory_space<vmem_shared>>
        tpu.wait_dma2 semaphore(%run_scoped3A : memref<!tpu.dma_semaphore, #tpu.memory_space<semaphore_mem>>) src(%arg10 : memref<128x128xf32, #tpu.memory_space<vmem>>) dst(%dma_wait3A_59 : memref<128x128xf32, #tpu.memory_space<vmem_shared>>)
        tpu.yield
      }) : () -> ()
    }
    %scan3A_16 = arith.constant 5 : i32
    %eq3A_17 = arith.constant 0 : i32
    %eq3A_18 = arith.cmpi eq, %arg0, %eq3A_17 : i32
    %convert_element_type3A_19 = arith.extui %eq3A_18 : i1 to i32
    %cond3A_20 = arith.constant 0 : i32
    %cond3A_21 = arith.cmpi ne, %convert_element_type3A_19, %cond3A_20 : i32
    scf.if %cond3A_21 {
      %dma_wait3A = arith.constant 0 : i32
      %dma_wait3A_46 = arith.constant 0 : i32
      %dma_wait3A_47 = tpu.memref_slice %arg8[%dma_wait3A, %dma_wait3A_46] : memref<93x128xi32, #tpu.memory_space<vmem>> -> memref<64x128xi32, #tpu.memory_space<vmem>>
      %dma_wait3A_48 = arith.constant 0 : i32
      %dma_wait3A_49 = arith.constant 0 : i32
      %dma_wait3A_50 = tpu.memref_slice %arg3[%arg1, %dma_wait3A_48, %dma_wait3A_49] : memref<16x64x128xi32, #tpu.memory_space<hbm>> -> memref<1x64x128xi32, #tpu.memory_space<hbm>>
      %dma_wait3A_51 = tpu.memref_squeeze %dma_wait3A_50 : memref<1x64x128xi32, #tpu.memory_space<hbm>> -> memref<64x128xi32, #tpu.memory_space<hbm>>
      %dma_wait3A_52 = arith.constant 0 : i32
      %dma_wait3A_53 = arith.constant 0 : i32
      %dma_wait3A_54 = tpu.memref_slice %arg8[%dma_wait3A_52, %dma_wait3A_53] : memref<93x128xi32, #tpu.memory_space<vmem>> -> memref<64x128xi32, #tpu.memory_space<vmem>>
      %dma_wait3A_55 = arith.constant 0 : i32
      %dma_wait3A_56 = arith.constant 0 : i32
      %dma_wait3A_57 = tpu.memref_slice %arg3[%arg1, %dma_wait3A_55, %dma_wait3A_56] : memref<16x64x128xi32, #tpu.memory_space<hbm>> -> memref<1x64x128xi32, #tpu.memory_space<hbm>>
      %dma_wait3A_58 = tpu.memref_squeeze %dma_wait3A_57 : memref<1x64x128xi32, #tpu.memory_space<hbm>> -> memref<64x128xi32, #tpu.memory_space<hbm>>
      tpu.wait_dma2 semaphore(%arg13 : memref<!tpu.dma_semaphore, #tpu.memory_space<semaphore_mem>>) src(%dma_wait3A_58 : memref<64x128xi32, #tpu.memory_space<hbm>>) dst(%dma_wait3A_54 : memref<64x128xi32, #tpu.memory_space<vmem>>)
      %dma_wait3A_59 = arith.constant 0 : i32
      %dma_wait3A_60 = arith.constant 0 : i32
      %dma_wait3A_61 = tpu.memref_slice %arg9[%dma_wait3A_59, %dma_wait3A_60] : memref<93x128xi32, #tpu.memory_space<vmem>> -> memref<64x128xi32, #tpu.memory_space<vmem>>
      %dma_wait3A_62 = arith.constant 0 : i32
      %dma_wait3A_63 = arith.constant 0 : i32
      %dma_wait3A_64 = tpu.memref_slice %arg4[%arg1, %dma_wait3A_62, %dma_wait3A_63] : memref<16x64x128xi32, #tpu.memory_space<hbm>> -> memref<1x64x128xi32, #tpu.memory_space<hbm>>
      %dma_wait3A_65 = tpu.memref_squeeze %dma_wait3A_64 : memref<1x64x128xi32, #tpu.memory_space<hbm>> -> memref<64x128xi32, #tpu.memory_space<hbm>>
      %dma_wait3A_66 = arith.constant 0 : i32
      %dma_wait3A_67 = arith.constant 0 : i32
      %dma_wait3A_68 = tpu.memref_slice %arg9[%dma_wait3A_66, %dma_wait3A_67] : memref<93x128xi32, #tpu.memory_space<vmem>> -> memref<64x128xi32, #tpu.memory_space<vmem>>
      %dma_wait3A_69 = arith.constant 0 : i32
      %dma_wait3A_70 = arith.constant 0 : i32
      %dma_wait3A_71 = tpu.memref_slice %arg4[%arg1, %dma_wait3A_69, %dma_wait3A_70] : memref<16x64x128xi32, #tpu.memory_space<hbm>> -> memref<1x64x128xi32, #tpu.memory_space<hbm>>
      %dma_wait3A_72 = tpu.memref_squeeze %dma_wait3A_71 : memref<1x64x128xi32, #tpu.memory_space<hbm>> -> memref<64x128xi32, #tpu.memory_space<hbm>>
      tpu.wait_dma2 semaphore(%arg13 : memref<!tpu.dma_semaphore, #tpu.memory_space<semaphore_mem>>) src(%dma_wait3A_72 : memref<64x128xi32, #tpu.memory_space<hbm>>) dst(%dma_wait3A_68 : memref<64x128xi32, #tpu.memory_space<vmem>>)
    } else {
    }
    %eq3A_22 = arith.constant 1 : i32
    %eq3A_23 = arith.cmpi eq, %arg0, %eq3A_22 : i32
    %convert_element_type3A_24 = arith.extui %eq3A_23 : i1 to i32
    %cond3A_25 = arith.constant 0 : i32
    %cond3A_26 = arith.cmpi ne, %convert_element_type3A_24, %cond3A_25 : i32
    scf.if %cond3A_26 {
      %dma_wait3A = arith.constant 0 : i32
      %dma_wait3A_46 = arith.constant 0 : i32
      %dma_wait3A_47 = tpu.memref_slice %arg8[%dma_wait3A, %dma_wait3A_46] : memref<93x128xi32, #tpu.memory_space<vmem>> -> memref<93x128xi32, #tpu.memory_space<vmem>>
      %dma_wait3A_48 = arith.constant 0 : i32
      %dma_wait3A_49 = arith.constant 0 : i32
      %dma_wait3A_50 = tpu.memref_slice %arg5[%arg1, %dma_wait3A_48, %dma_wait3A_49] : memref<16x93x128xi32, #tpu.memory_space<hbm>> -> memref<1x93x128xi32, #tpu.memory_space<hbm>>
      %dma_wait3A_51 = tpu.memref_squeeze %dma_wait3A_50 : memref<1x93x128xi32, #tpu.memory_space<hbm>> -> memref<93x128xi32, #tpu.memory_space<hbm>>
      %dma_wait3A_52 = arith.constant 0 : i32
      %dma_wait3A_53 = arith.constant 0 : i32
      %dma_wait3A_54 = tpu.memref_slice %arg8[%dma_wait3A_52, %dma_wait3A_53] : memref<93x128xi32, #tpu.memory_space<vmem>> -> memref<93x128xi32, #tpu.memory_space<vmem>>
      %dma_wait3A_55 = arith.constant 0 : i32
      %dma_wait3A_56 = arith.constant 0 : i32
      %dma_wait3A_57 = tpu.memref_slice %arg5[%arg1, %dma_wait3A_55, %dma_wait3A_56] : memref<16x93x128xi32, #tpu.memory_space<hbm>> -> memref<1x93x128xi32, #tpu.memory_space<hbm>>
      %dma_wait3A_58 = tpu.memref_squeeze %dma_wait3A_57 : memref<1x93x128xi32, #tpu.memory_space<hbm>> -> memref<93x128xi32, #tpu.memory_space<hbm>>
      tpu.wait_dma2 semaphore(%arg13 : memref<!tpu.dma_semaphore, #tpu.memory_space<semaphore_mem>>) src(%dma_wait3A_58 : memref<93x128xi32, #tpu.memory_space<hbm>>) dst(%dma_wait3A_54 : memref<93x128xi32, #tpu.memory_space<vmem>>)
      %dma_wait3A_59 = arith.constant 0 : i32
      %dma_wait3A_60 = arith.constant 0 : i32
      %dma_wait3A_61 = tpu.memref_slice %arg9[%dma_wait3A_59, %dma_wait3A_60] : memref<93x128xi32, #tpu.memory_space<vmem>> -> memref<93x128xi32, #tpu.memory_space<vmem>>
      %dma_wait3A_62 = arith.constant 0 : i32
      %dma_wait3A_63 = arith.constant 0 : i32
      %dma_wait3A_64 = tpu.memref_slice %arg6[%arg1, %dma_wait3A_62, %dma_wait3A_63] : memref<16x93x128xi32, #tpu.memory_space<hbm>> -> memref<1x93x128xi32, #tpu.memory_space<hbm>>
      %dma_wait3A_65 = tpu.memref_squeeze %dma_wait3A_64 : memref<1x93x128xi32, #tpu.memory_space<hbm>> -> memref<93x128xi32, #tpu.memory_space<hbm>>
      %dma_wait3A_66 = arith.constant 0 : i32
      %dma_wait3A_67 = arith.constant 0 : i32
      %dma_wait3A_68 = tpu.memref_slice %arg9[%dma_wait3A_66, %dma_wait3A_67] : memref<93x128xi32, #tpu.memory_space<vmem>> -> memref<93x128xi32, #tpu.memory_space<vmem>>
      %dma_wait3A_69 = arith.constant 0 : i32
      %dma_wait3A_70 = arith.constant 0 : i32
      %dma_wait3A_71 = tpu.memref_slice %arg6[%arg1, %dma_wait3A_69, %dma_wait3A_70] : memref<16x93x128xi32, #tpu.memory_space<hbm>> -> memref<1x93x128xi32, #tpu.memory_space<hbm>>
      %dma_wait3A_72 = tpu.memref_squeeze %dma_wait3A_71 : memref<1x93x128xi32, #tpu.memory_space<hbm>> -> memref<93x128xi32, #tpu.memory_space<hbm>>
      tpu.wait_dma2 semaphore(%arg13 : memref<!tpu.dma_semaphore, #tpu.memory_space<semaphore_mem>>) src(%dma_wait3A_72 : memref<93x128xi32, #tpu.memory_space<hbm>>) dst(%dma_wait3A_68 : memref<93x128xi32, #tpu.memory_space<vmem>>)
    } else {
    }
    %barrier3A = arith.constant 0 : index
    tpu.barrier barrier_id(%barrier3A)
    %eq3A_27 = arith.constant 0 : i32
    %eq3A_28 = arith.cmpi eq, %arg0, %eq3A_27 : i32
    %jit3A = arith.constant 64 : i32
    %jit3A_29 = arith.constant 93 : i32
    %select_n3A = arith.select %eq3A_28, %jit3A, %jit3A_29 : i32
    %sub3A = arith.constant 0 : i32
    %sub3A_30 = arith.subi %select_n3A, %sub3A : i32
    %sub3A_31 = arith.constant 1 : i32
    %sub3A_32 = arith.constant 1 : i32
    %sub3A_33 = arith.subi %sub3A_31, %sub3A_32 : i32
    %add3A = arith.addi %sub3A_30, %sub3A_33 : i32
    %div3A = arith.constant 1 : i32
    %div3A_34 = arith.divsi %add3A, %div3A : i32
    %while3A = arith.constant 1 : i32
    %while3A_35 = arith.constant 0 : i32
    %while3A_36 = arith.constant 0 : i32
    %while3A_37 = arith.subi %div3A_34, %while3A_36 : i32
    %while3A_38 = arith.addi %while3A_36, %while3A_37 : i32
    %while3A_39 = arith.constant 1 : i32
    %while3A_40 = arith.divsi %while3A_37, %while3A_39 : i32
    %while3A_41 = arith.muli %while3A_40, %while3A_39 : i32
    %while3A_42 = arith.addi %while3A_36, %while3A_41 : i32
    %while3A_43 = arith.constant 1 : i32
    scf.for %while3A_46 = %while3A_36 to %while3A_42 step %while3A_43  : i32 {
      %mul3A_47 = arith.muli %while3A_46, %while3A : i32
      %add3A_48 = arith.addi %while3A_35, %mul3A_47 : i32
      %dma_start3A = arith.constant 0 : i32
      %dma_start3A_49 = arith.constant 0 : i32
      %dma_start3A_50 = tpu.memref_slice %arg10[%dma_start3A, %dma_start3A_49] : memref<128x128xf32, #tpu.memory_space<vmem>> -> memref<64x128xf32, #tpu.memory_space<vmem>>
      %dma_start3A_51 = arith.constant 0 : i32
      %dma_start3A_52 = tpu.memref_slice %arg8[%add3A_48, %dma_start3A_51] : memref<93x128xi32, #tpu.memory_space<vmem>> -> memref<1x64xi32, #tpu.memory_space<vmem>>
      %dma_start3A_53 = tpu.memref_squeeze %dma_start3A_52 : memref<1x64xi32, #tpu.memory_space<vmem>> -> memref<64xi32, #tpu.memory_space<vmem>>
      %dma_start3A_54 = arith.constant 0 : i32
      %dma_start3A_55 = arith.constant 0 : i32
      %dma_start3A_56 = tpu.memref_slice %arg2[%dma_start3A_54, %dma_start3A_55] : memref<10000x128xf32, #tpu.memory_space<hbm>> -> memref<10000x128xf32, #tpu.memory_space<hbm>>
      tpu.enqueue_indirect_dma source(%dma_start3A_56 : memref<10000x128xf32, #tpu.memory_space<hbm>>) target(%dma_start3A_50 : memref<64x128xf32, #tpu.memory_space<vmem>>) offsets(%dma_start3A_53 : memref<64xi32, #tpu.memory_space<vmem>>) semaphore(%arg12 : memref<!tpu.dma_semaphore, #tpu.memory_space<semaphore_mem>>)
      %dma_start3A_57 = arith.constant 64 : i32
      %dma_start3A_58 = arith.constant 0 : i32
      %dma_start3A_59 = tpu.memref_slice %arg10[%dma_start3A_57, %dma_start3A_58] : memref<128x128xf32, #tpu.memory_space<vmem>> -> memref<64x128xf32, #tpu.memory_space<vmem>>
      %dma_start3A_60 = arith.constant 64 : i32
      %dma_start3A_61 = tpu.memref_slice %arg8[%add3A_48, %dma_start3A_60] : memref<93x128xi32, #tpu.memory_space<vmem>> -> memref<1x64xi32, #tpu.memory_space<vmem>>
      %dma_start3A_62 = tpu.memref_squeeze %dma_start3A_61 : memref<1x64xi32, #tpu.memory_space<vmem>> -> memref<64xi32, #tpu.memory_space<vmem>>
      %dma_start3A_63 = arith.constant 0 : i32
      %dma_start3A_64 = arith.constant 0 : i32
      %dma_start3A_65 = tpu.memref_slice %arg2[%dma_start3A_63, %dma_start3A_64] : memref<10000x128xf32, #tpu.memory_space<hbm>> -> memref<10000x128xf32, #tpu.memory_space<hbm>>
      tpu.enqueue_indirect_dma source(%dma_start3A_65 : memref<10000x128xf32, #tpu.memory_space<hbm>>) target(%dma_start3A_59 : memref<64x128xf32, #tpu.memory_space<vmem>>) offsets(%dma_start3A_62 : memref<64xi32, #tpu.memory_space<vmem>>) semaphore(%arg13 : memref<!tpu.dma_semaphore, #tpu.memory_space<semaphore_mem>>)
      %dma_wait3A = arith.constant 0 : i32
      %dma_wait3A_66 = arith.constant 0 : i32
      %dma_wait3A_67 = tpu.memref_slice %arg10[%dma_wait3A, %dma_wait3A_66] : memref<128x128xf32, #tpu.memory_space<vmem>> -> memref<64x128xf32, #tpu.memory_space<vmem>>
      %dma_wait3A_68 = arith.constant 0 : i32
      %dma_wait3A_69 = tpu.memref_slice %arg8[%add3A_48, %dma_wait3A_68] : memref<93x128xi32, #tpu.memory_space<vmem>> -> memref<1x64xi32, #tpu.memory_space<vmem>>
      %dma_wait3A_70 = tpu.memref_squeeze %dma_wait3A_69 : memref<1x64xi32, #tpu.memory_space<vmem>> -> memref<64xi32, #tpu.memory_space<vmem>>
      %dma_wait3A_71 = arith.constant 0 : i32
      %dma_wait3A_72 = arith.constant 0 : i32
      %dma_wait3A_73 = tpu.memref_slice %arg2[%dma_wait3A_71, %dma_wait3A_72] : memref<10000x128xf32, #tpu.memory_space<hbm>> -> memref<10000x128xf32, #tpu.memory_space<hbm>>
      tpu.wait_indirect_dma semaphore(%arg12 : memref<!tpu.dma_semaphore, #tpu.memory_space<semaphore_mem>>) src(%dma_wait3A_73 : memref<10000x128xf32, #tpu.memory_space<hbm>>) dst(%dma_wait3A_67 : memref<64x128xf32, #tpu.memory_space<vmem>>)
      %dma_wait3A_74 = arith.constant 64 : i32
      %dma_wait3A_75 = arith.constant 0 : i32
      %dma_wait3A_76 = tpu.memref_slice %arg10[%dma_wait3A_74, %dma_wait3A_75] : memref<128x128xf32, #tpu.memory_space<vmem>> -> memref<64x128xf32, #tpu.memory_space<vmem>>
      %dma_wait3A_77 = arith.constant 64 : i32
      %dma_wait3A_78 = tpu.memref_slice %arg8[%add3A_48, %dma_wait3A_77] : memref<93x128xi32, #tpu.memory_space<vmem>> -> memref<1x64xi32, #tpu.memory_space<vmem>>
      %dma_wait3A_79 = tpu.memref_squeeze %dma_wait3A_78 : memref<1x64xi32, #tpu.memory_space<vmem>> -> memref<64xi32, #tpu.memory_space<vmem>>
      %dma_wait3A_80 = arith.constant 0 : i32
      %dma_wait3A_81 = arith.constant 0 : i32
      %dma_wait3A_82 = tpu.memref_slice %arg2[%dma_wait3A_80, %dma_wait3A_81] : memref<10000x128xf32, #tpu.memory_space<hbm>> -> memref<10000x128xf32, #tpu.memory_space<hbm>>
      tpu.wait_indirect_dma semaphore(%arg13 : memref<!tpu.dma_semaphore, #tpu.memory_space<semaphore_mem>>) src(%dma_wait3A_82 : memref<10000x128xf32, #tpu.memory_space<hbm>>) dst(%dma_wait3A_76 : memref<64x128xf32, #tpu.memory_space<vmem>>)
      "tpu.region"() ({
        %run_scoped3A = tpu.sem_alloc : memref<!tpu.dma_semaphore, #tpu.memory_space<semaphore_mem>>
        %dma_start3A_83 = arith.constant 0 : i32
        %dma_start3A_84 = tpu.memref_slice %arg9[%add3A_48, %dma_start3A_83] : memref<93x128xi32, #tpu.memory_space<vmem>> -> memref<1x128xi32, #tpu.memory_space<vmem>>
        %dma_start3A_85 = tpu.memref_squeeze %dma_start3A_84 : memref<1x128xi32, #tpu.memory_space<vmem>> -> memref<128xi32, #tpu.memory_space<vmem>>
        %dma_start3A_86 = arith.constant 0 : i32
        %dma_start3A_87 = arith.constant 0 : i32
        %dma_start3A_88 = tpu.memref_slice %arg11[%dma_start3A_86, %dma_start3A_87] : memref<10240x128xf32, #tpu.memory_space<vmem_shared>> -> memref<10240x128xf32, #tpu.memory_space<vmem_shared>>
        tpu.enqueue_indirect_dma source(%arg10 : memref<128x128xf32, #tpu.memory_space<vmem>>) target(%dma_start3A_88 : memref<10240x128xf32, #tpu.memory_space<vmem_shared>>) offsets(%dma_start3A_85 : memref<128xi32, #tpu.memory_space<vmem>>) semaphore(%run_scoped3A : memref<!tpu.dma_semaphore, #tpu.memory_space<semaphore_mem>>) {add = true}
        %dma_wait3A_89 = arith.constant 0 : i32
        %dma_wait3A_90 = tpu.memref_slice %arg9[%add3A_48, %dma_wait3A_89] : memref<93x128xi32, #tpu.memory_space<vmem>> -> memref<1x128xi32, #tpu.memory_space<vmem>>
        %dma_wait3A_91 = tpu.memref_squeeze %dma_wait3A_90 : memref<1x128xi32, #tpu.memory_space<vmem>> -> memref<128xi32, #tpu.memory_space<vmem>>
        %dma_wait3A_92 = arith.constant 0 : i32
        %dma_wait3A_93 = arith.constant 0 : i32
        %dma_wait3A_94 = tpu.memref_slice %arg11[%dma_wait3A_92, %dma_wait3A_93] : memref<10240x128xf32, #tpu.memory_space<vmem_shared>> -> memref<10240x128xf32, #tpu.memory_space<vmem_shared>>
        tpu.wait_indirect_dma semaphore(%run_scoped3A : memref<!tpu.dma_semaphore, #tpu.memory_space<semaphore_mem>>) src(%arg10 : memref<128x128xf32, #tpu.memory_space<vmem>>) dst(%dma_wait3A_94 : memref<10240x128xf32, #tpu.memory_space<vmem_shared>>)
        tpu.yield
      }) : () -> ()
    }
    %while3A_44 = arith.constant 1 : i32
    scf.for %while3A_46 = %while3A_42 to %while3A_38 step %while3A_44  : i32 {
      %mul3A_47 = arith.muli %while3A_46, %while3A : i32
      %add3A_48 = arith.addi %while3A_35, %mul3A_47 : i32
      %dma_start3A = arith.constant 0 : i32
      %dma_start3A_49 = arith.constant 0 : i32
      %dma_start3A_50 = tpu.memref_slice %arg10[%dma_start3A, %dma_start3A_49] : memref<128x128xf32, #tpu.memory_space<vmem>> -> memref<64x128xf32, #tpu.memory_space<vmem>>
      %dma_start3A_51 = arith.constant 0 : i32
      %dma_start3A_52 = tpu.memref_slice %arg8[%add3A_48, %dma_start3A_51] : memref<93x128xi32, #tpu.memory_space<vmem>> -> memref<1x64xi32, #tpu.memory_space<vmem>>
      %dma_start3A_53 = tpu.memref_squeeze %dma_start3A_52 : memref<1x64xi32, #tpu.memory_space<vmem>> -> memref<64xi32, #tpu.memory_space<vmem>>
      %dma_start3A_54 = arith.constant 0 : i32
      %dma_start3A_55 = arith.constant 0 : i32
      %dma_start3A_56 = tpu.memref_slice %arg2[%dma_start3A_54, %dma_start3A_55] : memref<10000x128xf32, #tpu.memory_space<hbm>> -> memref<10000x128xf32, #tpu.memory_space<hbm>>
      tpu.enqueue_indirect_dma source(%dma_start3A_56 : memref<10000x128xf32, #tpu.memory_space<hbm>>) target(%dma_start3A_50 : memref<64x128xf32, #tpu.memory_space<vmem>>) offsets(%dma_start3A_53 : memref<64xi32, #tpu.memory_space<vmem>>) semaphore(%arg12 : memref<!tpu.dma_semaphore, #tpu.memory_space<semaphore_mem>>)
      %dma_start3A_57 = arith.constant 64 : i32
      %dma_start3A_58 = arith.constant 0 : i32
      %dma_start3A_59 = tpu.memref_slice %arg10[%dma_start3A_57, %dma_start3A_58] : memref<128x128xf32, #tpu.memory_space<vmem>> -> memref<64x128xf32, #tpu.memory_space<vmem>>
      %dma_start3A_60 = arith.constant 64 : i32
      %dma_start3A_61 = tpu.memref_slice %arg8[%add3A_48, %dma_start3A_60] : memref<93x128xi32, #tpu.memory_space<vmem>> -> memref<1x64xi32, #tpu.memory_space<vmem>>
      %dma_start3A_62 = tpu.memref_squeeze %dma_start3A_61 : memref<1x64xi32, #tpu.memory_space<vmem>> -> memref<64xi32, #tpu.memory_space<vmem>>
      %dma_start3A_63 = arith.constant 0 : i32
      %dma_start3A_64 = arith.constant 0 : i32
      %dma_start3A_65 = tpu.memref_slice %arg2[%dma_start3A_63, %dma_start3A_64] : memref<10000x128xf32, #tpu.memory_space<hbm>> -> memref<10000x128xf32, #tpu.memory_space<hbm>>
      tpu.enqueue_indirect_dma source(%dma_start3A_65 : memref<10000x128xf32, #tpu.memory_space<hbm>>) target(%dma_start3A_59 : memref<64x128xf32, #tpu.memory_space<vmem>>) offsets(%dma_start3A_62 : memref<64xi32, #tpu.memory_space<vmem>>) semaphore(%arg13 : memref<!tpu.dma_semaphore, #tpu.memory_space<semaphore_mem>>)
      %dma_wait3A = arith.constant 0 : i32
      %dma_wait3A_66 = arith.constant 0 : i32
      %dma_wait3A_67 = tpu.memref_slice %arg10[%dma_wait3A, %dma_wait3A_66] : memref<128x128xf32, #tpu.memory_space<vmem>> -> memref<64x128xf32, #tpu.memory_space<vmem>>
      %dma_wait3A_68 = arith.constant 0 : i32
      %dma_wait3A_69 = tpu.memref_slice %arg8[%add3A_48, %dma_wait3A_68] : memref<93x128xi32, #tpu.memory_space<vmem>> -> memref<1x64xi32, #tpu.memory_space<vmem>>
      %dma_wait3A_70 = tpu.memref_squeeze %dma_wait3A_69 : memref<1x64xi32, #tpu.memory_space<vmem>> -> memref<64xi32, #tpu.memory_space<vmem>>
      %dma_wait3A_71 = arith.constant 0 : i32
      %dma_wait3A_72 = arith.constant 0 : i32
      %dma_wait3A_73 = tpu.memref_slice %arg2[%dma_wait3A_71, %dma_wait3A_72] : memref<10000x128xf32, #tpu.memory_space<hbm>> -> memref<10000x128xf32, #tpu.memory_space<hbm>>
      tpu.wait_indirect_dma semaphore(%arg12 : memref<!tpu.dma_semaphore, #tpu.memory_space<semaphore_mem>>) src(%dma_wait3A_73 : memref<10000x128xf32, #tpu.memory_space<hbm>>) dst(%dma_wait3A_67 : memref<64x128xf32, #tpu.memory_space<vmem>>)
      %dma_wait3A_74 = arith.constant 64 : i32
      %dma_wait3A_75 = arith.constant 0 : i32
      %dma_wait3A_76 = tpu.memref_slice %arg10[%dma_wait3A_74, %dma_wait3A_75] : memref<128x128xf32, #tpu.memory_space<vmem>> -> memref<64x128xf32, #tpu.memory_space<vmem>>
      %dma_wait3A_77 = arith.constant 64 : i32
      %dma_wait3A_78 = tpu.memref_slice %arg8[%add3A_48, %dma_wait3A_77] : memref<93x128xi32, #tpu.memory_space<vmem>> -> memref<1x64xi32, #tpu.memory_space<vmem>>
      %dma_wait3A_79 = tpu.memref_squeeze %dma_wait3A_78 : memref<1x64xi32, #tpu.memory_space<vmem>> -> memref<64xi32, #tpu.memory_space<vmem>>
      %dma_wait3A_80 = arith.constant 0 : i32
      %dma_wait3A_81 = arith.constant 0 : i32
      %dma_wait3A_82 = tpu.memref_slice %arg2[%dma_wait3A_80, %dma_wait3A_81] : memref<10000x128xf32, #tpu.memory_space<hbm>> -> memref<10000x128xf32, #tpu.memory_space<hbm>>
      tpu.wait_indirect_dma semaphore(%arg13 : memref<!tpu.dma_semaphore, #tpu.memory_space<semaphore_mem>>) src(%dma_wait3A_82 : memref<10000x128xf32, #tpu.memory_space<hbm>>) dst(%dma_wait3A_76 : memref<64x128xf32, #tpu.memory_space<vmem>>)
      "tpu.region"() ({
        %run_scoped3A = tpu.sem_alloc : memref<!tpu.dma_semaphore, #tpu.memory_space<semaphore_mem>>
        %dma_start3A_83 = arith.constant 0 : i32
        %dma_start3A_84 = tpu.memref_slice %arg9[%add3A_48, %dma_start3A_83] : memref<93x128xi32, #tpu.memory_space<vmem>> -> memref<1x128xi32, #tpu.memory_space<vmem>>
        %dma_start3A_85 = tpu.memref_squeeze %dma_start3A_84 : memref<1x128xi32, #tpu.memory_space<vmem>> -> memref<128xi32, #tpu.memory_space<vmem>>
        %dma_start3A_86 = arith.constant 0 : i32
        %dma_start3A_87 = arith.constant 0 : i32
        %dma_start3A_88 = tpu.memref_slice %arg11[%dma_start3A_86, %dma_start3A_87] : memref<10240x128xf32, #tpu.memory_space<vmem_shared>> -> memref<10240x128xf32, #tpu.memory_space<vmem_shared>>
        tpu.enqueue_indirect_dma source(%arg10 : memref<128x128xf32, #tpu.memory_space<vmem>>) target(%dma_start3A_88 : memref<10240x128xf32, #tpu.memory_space<vmem_shared>>) offsets(%dma_start3A_85 : memref<128xi32, #tpu.memory_space<vmem>>) semaphore(%run_scoped3A : memref<!tpu.dma_semaphore, #tpu.memory_space<semaphore_mem>>) {add = true}
        %dma_wait3A_89 = arith.constant 0 : i32
        %dma_wait3A_90 = tpu.memref_slice %arg9[%add3A_48, %dma_wait3A_89] : memref<93x128xi32, #tpu.memory_space<vmem>> -> memref<1x128xi32, #tpu.memory_space<vmem>>
        %dma_wait3A_91 = tpu.memref_squeeze %dma_wait3A_90 : memref<1x128xi32, #tpu.memory_space<vmem>> -> memref<128xi32, #tpu.memory_space<vmem>>
        %dma_wait3A_92 = arith.constant 0 : i32
        %dma_wait3A_93 = arith.constant 0 : i32
        %dma_wait3A_94 = tpu.memref_slice %arg11[%dma_wait3A_92, %dma_wait3A_93] : memref<10240x128xf32, #tpu.memory_space<vmem_shared>> -> memref<10240x128xf32, #tpu.memory_space<vmem_shared>>
        tpu.wait_indirect_dma semaphore(%run_scoped3A : memref<!tpu.dma_semaphore, #tpu.memory_space<semaphore_mem>>) src(%arg10 : memref<128x128xf32, #tpu.memory_space<vmem>>) dst(%dma_wait3A_94 : memref<10240x128xf32, #tpu.memory_space<vmem_shared>>)
        tpu.yield
      }) : () -> ()
    }
    %barrier3A_45 = arith.constant 0 : index
    tpu.barrier barrier_id(%barrier3A_45)
    "tpu.region"() ({
      %run_scoped3A = tpu.sem_alloc : memref<!tpu.dma_semaphore, #tpu.memory_space<semaphore_mem>>
      %dma_start3A = arith.constant 0 : i32
      %dma_start3A_46 = tpu.memref_slice %arg7[%arg0, %mul3A_0, %dma_start3A] : memref<2x10240x128xf32, #tpu.memory_space<hbm>> -> memref<1x640x128xf32, #tpu.memory_space<hbm>>
      %dma_start3A_47 = tpu.memref_squeeze %dma_start3A_46 : memref<1x640x128xf32, #tpu.memory_space<hbm>> -> memref<640x128xf32, #tpu.memory_space<hbm>>
      %dma_start3A_48 = arith.constant 0 : i32
      %dma_start3A_49 = tpu.memref_slice %arg11[%mul3A_0, %dma_start3A_48] : memref<10240x128xf32, #tpu.memory_space<vmem_shared>> -> memref<640x128xf32, #tpu.memory_space<vmem_shared>>
      tpu.enqueue_dma source(%dma_start3A_49 : memref<640x128xf32, #tpu.memory_space<vmem_shared>>) target(%dma_start3A_47 : memref<640x128xf32, #tpu.memory_space<hbm>>) target_semaphore(%run_scoped3A : memref<!tpu.dma_semaphore, #tpu.memory_space<semaphore_mem>>)
      %dma_wait3A = arith.constant 0 : i32
      %dma_wait3A_50 = tpu.memref_slice %arg7[%arg0, %mul3A_0, %dma_wait3A] : memref<2x10240x128xf32, #tpu.memory_space<hbm>> -> memref<1x640x128xf32, #tpu.memory_space<hbm>>
      %dma_wait3A_51 = tpu.memref_squeeze %dma_wait3A_50 : memref<1x640x128xf32, #tpu.memory_space<hbm>> -> memref<640x128xf32, #tpu.memory_space<hbm>>
      %dma_wait3A_52 = arith.constant 0 : i32
      %dma_wait3A_53 = tpu.memref_slice %arg11[%mul3A_0, %dma_wait3A_52] : memref<10240x128xf32, #tpu.memory_space<vmem_shared>> -> memref<640x128xf32, #tpu.memory_space<vmem_shared>>
      tpu.wait_dma2 semaphore(%run_scoped3A : memref<!tpu.dma_semaphore, #tpu.memory_space<semaphore_mem>>) src(%dma_wait3A_53 : memref<640x128xf32, #tpu.memory_space<vmem_shared>>) dst(%dma_wait3A_51 : memref<640x128xf32, #tpu.memory_space<hbm>>)
      tpu.yield
    }) : () -> ()
    return
  }
}

module attributes {stable_mosaic.version = 14 : i64} {
  func.func @body(%arg0: i32, %arg1: memref<1000x128xf32, #tpu.memory_space<vmem>>, %arg2: memref<128x128xf32, #tpu.memory_space<vmem>>, %arg3: memref<1000x128xf32, #tpu.memory_space<vmem>>) attributes {dimension_semantics = [#tpu.dimension_semantics<arbitrary>], iteration_bounds = array<i64: 10>, scalar_prefetch = 0 : i64, scratch_operands = 0 : i64, tpu.core_type = #tpu.core_type<tc>, window_params = [{transform_indices = @transform_0, window_bounds = array<i64: 1000, 128>}, {pipeline_mode = #tpu.pipeline_mode<synchronous>, transform_indices = @transform_1, window_bounds = array<i64: 128, 128>}, {transform_indices = @transform_2, window_bounds = array<i64: 1000, 128>}]} {
    %get3A = arith.constant 0 : index
    %get3A_0 = arith.constant 0 : index
    %get3A_1 = vector.load %arg1[%get3A, %get3A_0] : memref<1000x128xf32, #tpu.memory_space<vmem>>, vector<1000x128xf32>
    %get3A_2 = arith.constant 0 : index
    %get3A_3 = arith.constant 0 : index
    %get3A_4 = vector.load %arg2[%get3A_2, %get3A_3] : memref<128x128xf32, #tpu.memory_space<vmem>>, vector<128x128xf32>
    %dot_general3A = arith.constant dense<0.000000e+00> : vector<1000x128xf32>
    %dot_general3A_5 = tpu.matmul %get3A_1, %get3A_4, %dot_general3A {dimension_numbers = #tpu.dot_dimension_numbers<[1], [0], [0], [1], [0, 0, 1, 1], [], []>, transpose_lhs_hint = false} : vector<1000x128xf32>, vector<128x128xf32>, vector<1000x128xf32> -> vector<1000x128xf32>
    %swap3A = arith.constant 0 : index
    %swap3A_6 = arith.constant 0 : index
    %swap3A_7 = vector.load %arg3[%swap3A, %swap3A_6] : memref<1000x128xf32, #tpu.memory_space<vmem>>, vector<1000x128xf32>
    tpu.vector_store %arg3[%swap3A, %swap3A_6], %dot_general3A_5 {strides = array<i32>} : memref<1000x128xf32, #tpu.memory_space<vmem>>, vector<1000x128xf32>,
    return
  }
  func.func @transform_0(%arg0: i32) -> (i32, i32) {
    %c0_i32 = arith.constant 0 : i32
    %c0_i32_0 = arith.constant 0 : i32
    return %arg0, %c0_i32 : i32, i32
  }
  func.func @transform_1(%arg0: i32) -> (i32, i32) {
    %c0_i32 = arith.constant 0 : i32
    %c0_i32_0 = arith.constant 0 : i32
    %c0_i32_1 = arith.constant 0 : i32
    return %c0_i32, %c0_i32_0 : i32, i32
  }
  func.func @transform_2(%arg0: i32) -> (i32, i32) {
    %c0_i32 = arith.constant 0 : i32
    %c0_i32_0 = arith.constant 0 : i32
    return %arg0, %c0_i32 : i32, i32
  }
}

module attributes {stable_mosaic.version = 14 : i64} {
  func.func @body(%arg0: i32, %arg1: memref<1000x128xf32, #tpu.memory_space<vmem>>, %arg2: memref<1000x2xf32, #tpu.memory_space<vmem>>, %arg3: memref<1000x128xf32, #tpu.memory_space<vmem>>) attributes {dimension_semantics = [#tpu.dimension_semantics<arbitrary>], iteration_bounds = array<i64: 10>, scalar_prefetch = 0 : i64, scratch_operands = 0 : i64, tpu.core_type = #tpu.core_type<tc>, window_params = [{transform_indices = @transform_0, window_bounds = array<i64: 1000, 128>}, {transform_indices = @transform_1, window_bounds = array<i64: 1000, 2>}, {transform_indices = @transform_2, window_bounds = array<i64: 1000, 128>}]} {
    %get3A = arith.constant 0 : index
    %get3A_0 = arith.constant 0 : index
    %get3A_1 = vector.load %arg2[%get3A, %get3A_0] : memref<1000x2xf32, #tpu.memory_space<vmem>>, vector<1000x1xf32>
    %get3A_2 = arith.constant 0 : index
    %get3A_3 = arith.constant 1 : index
    %get3A_4 = vector.load %arg2[%get3A_2, %get3A_3] : memref<1000x2xf32, #tpu.memory_space<vmem>>, vector<1000x1xf32>
    %add3A = arith.addf %get3A_1, %get3A_4 : vector<1000x1xf32>
    %add3A_5 = arith.constant 1.000000e+00 : f32
    %add3A_6 = vector.broadcast %add3A_5 : f32 to vector<1000x1xf32>
    %add3A_7 = arith.addf %add3A, %add3A_6 : vector<1000x1xf32>
    %get3A_8 = arith.constant 0 : index
    %get3A_9 = arith.constant 0 : index
    %get3A_10 = vector.load %arg1[%get3A_8, %get3A_9] : memref<1000x128xf32, #tpu.memory_space<vmem>>, vector<1000x128xf32>
    %rsqrt3A = math.rsqrt %add3A_7 : vector<1000x1xf32>
    %mul3A = vector.broadcast %rsqrt3A : vector<1000x1xf32> to vector<1000x128xf32>
    %mul3A_11 = arith.mulf %get3A_10, %mul3A : vector<1000x128xf32>
    %swap3A = arith.constant 0 : index
    %swap3A_12 = arith.constant 0 : index
    %swap3A_13 = vector.load %arg3[%swap3A, %swap3A_12] : memref<1000x128xf32, #tpu.memory_space<vmem>>, vector<1000x128xf32>
    tpu.vector_store %arg3[%swap3A, %swap3A_12], %mul3A_11 {strides = array<i32>} : memref<1000x128xf32, #tpu.memory_space<vmem>>, vector<1000x128xf32>,
    return
  }
  func.func @transform_0(%arg0: i32) -> (i32, i32) {
    %c0_i32 = arith.constant 0 : i32
    %c0_i32_0 = arith.constant 0 : i32
    return %arg0, %c0_i32 : i32, i32
  }
  func.func @transform_1(%arg0: i32) -> (i32, i32) {
    %c0_i32 = arith.constant 0 : i32
    %c0_i32_0 = arith.constant 0 : i32
    return %arg0, %c0_i32 : i32, i32
  }
  func.func @transform_2(%arg0: i32) -> (i32, i32) {
    %c0_i32 = arith.constant 0 : i32
    %c0_i32_0 = arith.constant 0 : i32
    return %arg0, %c0_i32 : i32, i32
  }
}

module attributes {stable_mosaic.version = 14 : i64} {
  func.func @body(%arg0: i32, %arg1: memref<2x1000x128xf32, #tpu.memory_space<vmem>>, %arg2: memref<1000x128xf32, #tpu.memory_space<vmem>>, %arg3: memref<1000x128xf32, #tpu.memory_space<vmem>>, %arg4: memref<1000x2xf32, #tpu.memory_space<vmem>>, %arg5: memref<1x128xf32, #tpu.memory_space<vmem>>, %arg6: memref<1x128xf32, #tpu.memory_space<vmem>>, %arg7: memref<1x128xf32, #tpu.memory_space<vmem>>, %arg8: memref<1x1xf32, #tpu.memory_space<vmem>>, %arg9: memref<1000x128xf32, #tpu.memory_space<vmem>>) attributes {dimension_semantics = [#tpu.dimension_semantics<arbitrary>], iteration_bounds = array<i64: 10>, scalar_prefetch = 0 : i64, scratch_operands = 0 : i64, tpu.core_type = #tpu.core_type<tc>, window_params = [{transform_indices = @transform_0, window_bounds = array<i64: 2, 1000, 128>}, {transform_indices = @transform_1, window_bounds = array<i64: 1000, 128>}, {transform_indices = @transform_2, window_bounds = array<i64: 1000, 128>}, {transform_indices = @transform_3, window_bounds = array<i64: 1000, 2>}, {pipeline_mode = #tpu.pipeline_mode<synchronous>, transform_indices = @transform_4, window_bounds = array<i64: 1, 128>}, {pipeline_mode = #tpu.pipeline_mode<synchronous>, transform_indices = @transform_5, window_bounds = array<i64: 1, 128>}, {pipeline_mode = #tpu.pipeline_mode<synchronous>, transform_indices = @transform_6, window_bounds = array<i64: 1, 128>}, {pipeline_mode = #tpu.pipeline_mode<synchronous>, transform_indices = @transform_7, window_bounds = array<i64: 1, 1>}, {transform_indices = @transform_8, window_bounds = array<i64: 1000, 128>}]} {
    %get3A = arith.constant 0 : index
    %get3A_0 = arith.constant 0 : index
    %get3A_1 = arith.constant 0 : index
    %get3A_2 = vector.load %arg1[%get3A, %get3A_0, %get3A_1] : memref<2x1000x128xf32, #tpu.memory_space<vmem>>, vector<1x1000x128xf32>
    %get3A_3 = vector.shape_cast %get3A_2 : vector<1x1000x128xf32> to vector<1000x128xf32>
    %get3A_4 = arith.constant 1 : index
    %get3A_5 = arith.constant 0 : index
    %get3A_6 = arith.constant 0 : index
    %get3A_7 = vector.load %arg1[%get3A_4, %get3A_5, %get3A_6] : memref<2x1000x128xf32, #tpu.memory_space<vmem>>, vector<1x1000x128xf32>
    %get3A_8 = vector.shape_cast %get3A_7 : vector<1x1000x128xf32> to vector<1000x128xf32>
    %add3A = arith.addf %get3A_3, %get3A_8 : vector<1000x128xf32>
    %get3A_9 = arith.constant 0 : index
    %get3A_10 = arith.constant 0 : index
    %get3A_11 = vector.load %arg2[%get3A_9, %get3A_10] : memref<1000x128xf32, #tpu.memory_space<vmem>>, vector<1000x128xf32>
    %add3A_12 = arith.addf %add3A, %get3A_11 : vector<1000x128xf32>
    %get3A_13 = arith.constant 0 : index
    %get3A_14 = arith.constant 0 : index
    %get3A_15 = vector.load %arg4[%get3A_13, %get3A_14] : memref<1000x2xf32, #tpu.memory_space<vmem>>, vector<1000x1xf32>
    %get3A_16 = arith.constant 0 : index
    %get3A_17 = arith.constant 1 : index
    %get3A_18 = vector.load %arg4[%get3A_16, %get3A_17] : memref<1000x2xf32, #tpu.memory_space<vmem>>, vector<1000x1xf32>
    %add3A_19 = arith.addf %get3A_15, %get3A_18 : vector<1000x1xf32>
    %add3A_20 = arith.constant 1.000000e+00 : f32
    %add3A_21 = vector.broadcast %add3A_20 : f32 to vector<1000x1xf32>
    %add3A_22 = arith.addf %add3A_19, %add3A_21 : vector<1000x1xf32>
    %rsqrt3A = math.rsqrt %add3A_22 : vector<1000x1xf32>
    %mul3A = vector.broadcast %rsqrt3A : vector<1000x1xf32> to vector<1000x128xf32>
    %mul3A_23 = arith.mulf %add3A_12, %mul3A : vector<1000x128xf32>
    %get3A_24 = arith.constant 0 : index
    %get3A_25 = arith.constant 0 : index
    %get3A_26 = vector.load %arg5[%get3A_24, %get3A_25] : memref<1x128xf32, #tpu.memory_space<vmem>>, vector<1x128xf32>
    %add3A_27 = vector.broadcast %get3A_26 : vector<1x128xf32> to vector<1000x128xf32>
    %add3A_28 = arith.addf %mul3A_23, %add3A_27 : vector<1000x128xf32>
    %reduce_sum3A = arith.constant dense<0.000000e+00> : vector<1000xf32>
    %reduce_sum3A_29 = vector.multi_reduction <add>, %add3A_28, %reduce_sum3A [1] : vector<1000x128xf32> to vector<1000xf32>
    %broadcast_in_dim3A = vector.shape_cast %reduce_sum3A_29 : vector<1000xf32> to vector<1000x1xf32>
    %div3A = arith.constant 1.280000e+02 : f32
    %div3A_30 = vector.broadcast %div3A : f32 to vector<1000x1xf32>
    %div3A_31 = arith.divf %broadcast_in_dim3A, %div3A_30 : vector<1000x1xf32>
    %sub3A = vector.broadcast %div3A_31 : vector<1000x1xf32> to vector<1000x128xf32>
    %sub3A_32 = arith.subf %add3A_28, %sub3A : vector<1000x128xf32>
    %mul3A_33 = arith.mulf %sub3A_32, %sub3A_32 : vector<1000x128xf32>
    %reduce_sum3A_34 = arith.constant dense<0.000000e+00> : vector<1000xf32>
    %reduce_sum3A_35 = vector.multi_reduction <add>, %mul3A_33, %reduce_sum3A_34 [1] : vector<1000x128xf32> to vector<1000xf32>
    %broadcast_in_dim3A_36 = vector.shape_cast %reduce_sum3A_35 : vector<1000xf32> to vector<1000x1xf32>
    %div3A_37 = arith.constant 1.280000e+02 : f32
    %div3A_38 = vector.broadcast %div3A_37 : f32 to vector<1000x1xf32>
    %div3A_39 = arith.divf %broadcast_in_dim3A_36, %div3A_38 : vector<1000x1xf32>
    %add3A_40 = arith.constant 9.99999974E-6 : f32
    %add3A_41 = vector.broadcast %add3A_40 : f32 to vector<1000x1xf32>
    %add3A_42 = arith.addf %div3A_39, %add3A_41 : vector<1000x1xf32>
    %rsqrt3A_43 = math.rsqrt %add3A_42 : vector<1000x1xf32>
    %mul3A_44 = vector.broadcast %rsqrt3A_43 : vector<1000x1xf32> to vector<1000x128xf32>
    %mul3A_45 = arith.mulf %sub3A_32, %mul3A_44 : vector<1000x128xf32>
    %get3A_46 = arith.constant 0 : index
    %get3A_47 = arith.constant 0 : index
    %get3A_48 = vector.load %arg6[%get3A_46, %get3A_47] : memref<1x128xf32, #tpu.memory_space<vmem>>, vector<1x128xf32>
    %mul3A_49 = vector.broadcast %get3A_48 : vector<1x128xf32> to vector<1000x128xf32>
    %mul3A_50 = arith.mulf %mul3A_45, %mul3A_49 : vector<1000x128xf32>
    %get3A_51 = arith.constant 0 : index
    %get3A_52 = arith.constant 0 : index
    %get3A_53 = vector.load %arg7[%get3A_51, %get3A_52] : memref<1x128xf32, #tpu.memory_space<vmem>>, vector<1x128xf32>
    %add3A_54 = vector.broadcast %get3A_53 : vector<1x128xf32> to vector<1000x128xf32>
    %add3A_55 = arith.addf %mul3A_50, %add3A_54 : vector<1000x128xf32>
    %ge3A = arith.constant 0.000000e+00 : f32
    %ge3A_56 = vector.broadcast %ge3A : f32 to vector<1000x128xf32>
    %ge3A_57 = arith.cmpf oge, %add3A_55, %ge3A_56 : vector<1000x128xf32>
    %get3A_58 = arith.constant 0 : index
    %get3A_59 = arith.constant 0 : index
    %get3A_60 = vector.load %arg8[%get3A_58, %get3A_59] : memref<1x1xf32, #tpu.memory_space<vmem>>, vector<1x1xf32>
    %get3A_61 = vector.extract %get3A_60[0, 0] : f32 from vector<1x1xf32>
    %mul3A_62 = vector.broadcast %get3A_61 : f32 to vector<1000x128xf32>
    %mul3A_63 = arith.mulf %mul3A_62, %add3A_55 : vector<1000x128xf32>
    %select_n3A = arith.select %ge3A_57, %add3A_55, %mul3A_63 : vector<1000x128xi1>, vector<1000x128xf32>
    %get3A_64 = arith.constant 0 : index
    %get3A_65 = arith.constant 0 : index
    %get3A_66 = vector.load %arg3[%get3A_64, %get3A_65] : memref<1000x128xf32, #tpu.memory_space<vmem>>, vector<1000x128xf32>
    %add3A_67 = arith.addf %select_n3A, %get3A_66 : vector<1000x128xf32>
    %swap3A = arith.constant 0 : index
    %swap3A_68 = arith.constant 0 : index
    %swap3A_69 = vector.load %arg9[%swap3A, %swap3A_68] : memref<1000x128xf32, #tpu.memory_space<vmem>>, vector<1000x128xf32>
    tpu.vector_store %arg9[%swap3A, %swap3A_68], %add3A_67 {strides = array<i32>} : memref<1000x128xf32, #tpu.memory_space<vmem>>, vector<1000x128xf32>,
    return
  }
  func.func @transform_0(%arg0: i32) -> (i32, i32, i32) {
    %c0_i32 = arith.constant 0 : i32
    %c0_i32_0 = arith.constant 0 : i32
    %c0_i32_1 = arith.constant 0 : i32
    return %c0_i32, %arg0, %c0_i32_0 : i32, i32, i32
  }
  func.func @transform_1(%arg0: i32) -> (i32, i32) {
    %c0_i32 = arith.constant 0 : i32
    %c0_i32_0 = arith.constant 0 : i32
    return %arg0, %c0_i32 : i32, i32
  }
  func.func @transform_2(%arg0: i32) -> (i32, i32) {
    %c0_i32 = arith.constant 0 : i32
    %c0_i32_0 = arith.constant 0 : i32
    return %arg0, %c0_i32 : i32, i32
  }
  func.func @transform_3(%arg0: i32) -> (i32, i32) {
    %c0_i32 = arith.constant 0 : i32
    %c0_i32_0 = arith.constant 0 : i32
    return %arg0, %c0_i32 : i32, i32
  }
  func.func @transform_4(%arg0: i32) -> (i32, i32) {
    %c0_i32 = arith.constant 0 : i32
    %c0_i32_0 = arith.constant 0 : i32
    %c0_i32_1 = arith.constant 0 : i32
    return %c0_i32, %c0_i32_0 : i32, i32
  }
  func.func @transform_5(%arg0: i32) -> (i32, i32) {
    %c0_i32 = arith.constant 0 : i32
    %c0_i32_0 = arith.constant 0 : i32
    %c0_i32_1 = arith.constant 0 : i32
    return %c0_i32, %c0_i32_0 : i32, i32
  }
  func.func @transform_6(%arg0: i32) -> (i32, i32) {
    %c0_i32 = arith.constant 0 : i32
    %c0_i32_0 = arith.constant 0 : i32
    %c0_i32_1 = arith.constant 0 : i32
    return %c0_i32, %c0_i32_0 : i32, i32
  }
  func.func @transform_7(%arg0: i32) -> (i32, i32) {
    %c0_i32 = arith.constant 0 : i32
    %c0_i32_0 = arith.constant 0 : i32
    %c0_i32_1 = arith.constant 0 : i32
    return %c0_i32, %c0_i32_0 : i32, i32
  }
  func.func @transform_8(%arg0: i32) -> (i32, i32) {
    %c0_i32 = arith.constant 0 : i32
    %c0_i32_0 = arith.constant 0 : i32
    return %arg0, %c0_i32 : i32, i32
  }
}

</mosaic_0001>

<sc_bundles>
// kernel: kernel.10.cloned.1.call-start
scs
__scs_entry_jumppad:
0x0: {  	(pc) =	sbr.rel $0x88, $3  }
0x1: {  	(tag) =	ssettag $0x0;
	lr =	simm.s32 $0x1  }
0x2: {  	[smem:$0x3F9A] =	sst lr;
	_ =	strace $0xD0000000  }
0x3: {  	_ = 	snop  }
0x4: {  	_ = 	snop  }
0x5: {  	_ = 	snop  }
0x6: {  	_ = 	snop  }
0x7: {  	_ = 	snop  }
__scs_overlays_trampoline_lowered:
0x8: {  	[smem:$0x3FA9] =	sst s0  }
0x9: {  	[smem:$0x3FAA] =	sst s1  }
0xa: {  	[smem:$0x3FAB] =	sst s2  }
0xb: {  	[smem:$0x3FAC] =	sst s3  }
0xc: {  	[smem:$0x3FAD] =	sst s4  }
0xd: {  	[smem:$0x3FAE] =	sst s5  }
0xe: {  	[smem:$0x3FAF] =	sst s6  }
0xf: {  	[smem:$0x3FB0] =	sst s7  }
0x10: {  	[smem:$0x3FB1] =	sst s8  }
0x11: {  	[smem:$0x3FB2] =	sst s9;
	s0 =	simm.s32 @!p0 $0x0  }
0x12: {  	s1 =	sld [smem:$0x3F98];
	s0 =	simm.s32 @p0 $0x1  }
0x13: {  	[smem:$0x3FB3] =	sst s0;
	s0 =	simm.s32 @!p1 $0x0  }
0x14: {  	s2 =	sld [smem:$0x3F97];
	s0 =	simm.s32 @p1 $0x1  }
0x15: {  	[smem:$0x3FB4] =	sst s0;
	s0 =	simm.s32 @!p2 $0x0  }
0x16: {  	s3 =	sld [smem:$0x3FDB];
	s0 =	simm.s32 @p2 $0x1  }
0x17: {  	s4 =	simm.s32 $0x1BF5;
	[smem:$0x3FB6] =	sst s0  }
0x18: {  	s0 =	sld [smem:$0x3F99];
	_ =	swait.ge [sflag:s4], $0x0  }
0x19: {  	s7 =	sld [smem:$0x3F9A]  }
0x1a: {  	s8 =	sadd.s32 $0xFFFFE003, lr  }
0x1b: {  	s9 =	sadd.s32 $0xFFFFFEF7, lr;
	s5 =	simm.s32 $0xFFFFFFFF;
	p2 =	slt.u32 s8, $0xFFFFF086  }
0x1c: {  	p1 =	slt.u32 s9, $0xF7A;
	s5 =	simm.s32 @!p2 $0x0  }
0x1d: {  	s5 =	simm.s32 @p1 $0x1;
	p0 =	seq.s32 s7, s2  }
0x1e: {  	s7 =	smul.u32 @!p0 $0xF7A, s2;
	p2 =	seq.s32 @!p0 s5, $0x0  }
0x1f: {  	s9 =	smul.u32 $0xF7A, s1;
	s8 =	simm.s32 @!p0 $0x1BF5;
	p2 =	por !p2, p0  }
0x20: {  	[sflag:s8] =	ssyncset.s32 @!p0 $0xFFFFF086;
	s6 =	sadd.s32 @!p0 s3, s7;
	s7 =	simm.s32 @!p0 $0x108  }
0x21: {  	s3 =	sadd.s32 s3, s9;
	s6 =	sadd.s32 @!p0 $0x88, s6;
	s7 =	simm.s32 @p2 $0x1082  }
0x22: {  	[simem:s7], [sflag:s8] =	dma.local @!p0 [hbm:s6], $0xF7A  }
0x23: {  	s9 =	sor.u32 $0xD0000000, s2;
	s6 =	simm.s32 $0x108;
	_ =	swait.ge @!p0 [sflag:s8], $0x0  }
0x24: {  	s3 =	sadd.s32 $0x88, s3;
	s6 =	simm.s32 @!p1 $0x1082;
	[sflag:s4] =	ssyncset.s32 $0xFFFFF086  }
0x25: {  	[simem:s6], [sflag:s4] =	dma.local [hbm:s3], $0xF7A  }
0x26: {  	[smem:$0x3F9A] =	sst s1;
	(tag) =	ssettag s2;
	_ =	strace s9  }
0x27: {  	s1 =	sld [smem:$0x3FAA]  }
0x28: {  	s2 =	sld [smem:$0x3FAB]  }
0x29: {  	s4 =	sld [smem:$0x3FAD]  }
0x2a: {  	p0 =	seq.s32 s5, $0x0;
	s5 =	sld [smem:$0x3FAE]  }
0x2b: {  	s6 =	sld [smem:$0x3FAF]  }
0x2c: {  	s7 =	sld [smem:$0x3FB0]  }
0x2d: {  	s3 =	simm.s32 $0x108;
	s8 =	sld [smem:$0x3FB1]  }
0x2e: {  	s3 =	simm.s32 @!p0 $0x1082;
	s9 =	sld [smem:$0x3FB2]  }
0x2f: {  	lr =	sadd.s32 s0, s3;
	s0 =	sld [smem:$0x3FA9]  }
0x30: {  	s3 =	sld [smem:$0x3FAC]  }
0x31: {  	[smem:$0x3FB5] =	sst s10  }
0x32: {  	s10 =	sld [smem:$0x3FB3];
	_ =	sdelay $0x3  }
0x33: {  	p0 =	seq.s32 s10, $0x1;
	s10 =	sld [smem:$0x3FB5];
	_ =	sdelay $0x3  }
0x34: {  	[smem:$0x3FB5] =	sst s10  }
0x35: {  	s10 =	sld [smem:$0x3FB4];
	_ =	sdelay $0x3  }
0x36: {  	p1 =	seq.s32 s10, $0x1;
	s10 =	sld [smem:$0x3FB5];
	_ =	sdelay $0x3  }
0x37: {  	[smem:$0x3FB5] =	sst s10  }
0x38: {  	s10 =	sld [smem:$0x3FB6]  }
0x39: {  	_ = 	snop;
	(pc) =	sbr.ind lr, $3  }
0x3a: {  	_ = 	snop  }
0x3b: {  	_ = 	snop  }
0x3c: {  	p2 =	seq.s32 s10, $0x1;
	s10 =	sld [smem:$0x3FB5]  }
0x3d: {  	_ =	shalt  }
0x3e: {  	_ =	shalt  }
0x3f: {  	_ =	shalt  }
0x40: {  	_ =	shalt  }
0x41: {  	_ =	shalt  }
0x42: {  	_ =	shalt  }
0x43: {  	_ =	shalt  }
0x44: {  	_ =	shalt  }
0x45: {  	_ =	shalt  }
0x46: {  	_ =	shalt  }
0x47: {  	_ =	shalt  }
0x48: {  	_ =	shalt  }
0x49: {  	_ =	shalt  }
0x4a: {  	_ =	shalt  }
0x4b: {  	_ =	shalt  }
0x4c: {  	_ =	shalt  }
0x4d: {  	_ =	shalt  }
0x4e: {  	_ =	shalt  }
0x4f: {  	_ =	shalt  }
0x50: {  	_ =	shalt  }
0x51: {  	_ =	shalt  }
0x52: {  	_ =	shalt  }
0x53: {  	_ =	shalt  }
0x54: {  	_ =	shalt  }
0x55: {  	_ =	shalt  }
0x56: {  	_ =	shalt  }
0x57: {  	_ =	shalt  }
0x58: {  	_ =	shalt  }
0x59: {  	_ =	shalt  }
0x5a: {  	_ =	shalt  }
0x5b: {  	_ =	shalt  }
0x5c: {  	_ =	shalt  }
0x5d: {  	_ =	shalt  }
0x5e: {  	_ =	shalt  }
0x5f: {  	_ =	shalt  }
0x60: {  	_ =	shalt  }
0x61: {  	_ =	shalt  }
0x62: {  	_ =	shalt  }
0x63: {  	_ =	shalt  }
0x64: {  	_ =	shalt  }
0x65: {  	_ =	shalt  }
0x66: {  	_ =	shalt  }
0x67: {  	_ =	shalt  }
0x68: {  	_ =	shalt  }
0x69: {  	_ =	shalt  }
0x6a: {  	_ =	shalt  }
0x6b: {  	_ =	shalt  }
0x6c: {  	_ =	shalt  }
0x6d: {  	_ =	shalt  }
0x6e: {  	_ =	shalt  }
0x6f: {  	_ =	shalt  }
0x70: {  	_ =	shalt  }
0x71: {  	_ =	shalt  }
0x72: {  	_ =	shalt  }
0x73: {  	_ =	shalt  }
0x74: {  	_ =	shalt  }
0x75: {  	_ =	shalt  }
0x76: {  	_ =	shalt  }
0x77: {  	_ =	shalt  }
0x78: {  	_ =	shalt  }
0x79: {  	_ =	shalt  }
0x7a: {  	_ =	shalt  }
0x7b: {  	_ =	shalt  }
0x7c: {  	_ =	shalt  }
0x7d: {  	_ =	shalt  }
0x7e: {  	_ =	shalt  }
0x7f: {  	_ =	shalt  }
0x80: {  	_ =	shalt  }
0x81: {  	_ =	shalt  }
0x82: {  	_ =	shalt  }
0x83: {  	_ =	shalt  }
0x84: {  	_ =	shalt  }
0x85: {  	_ =	shalt  }
0x86: {  	_ =	shalt  }
0x87: {  	_ =	shalt  }
.Lfunc_end0:
.L_simem_size_0:
called_computation.1_lowered:
.L_overlay_start_0:
0x88: {  	s2 =	sld [smem:$0x3FD9]  }
0x89: {  	s3 =	sld [smem:$0x3FFE];
	_ =	sdelay $0x1  }
0x8a: {  	s1 =	srdreg.scid  }
0x8b: {  	s0 =	sand.u32 $0x1, s1  }
0x8c: {  	s17 =	sshll.u32 s0, $0xA;
	s2 =	sadd.s32 s3, s2  }
0x8d: {  	s2 =	sadd.s32 s2, s17  }
0x8e: {  	[smem:$0x3FC1] =	sst s2  }
0x8f: {  	_ = 	snop  }
0x90: {  	s2 =	sld [smem:$0x3FD0];
	(tm) =	ssettm $0x1  }
0x91: {  	s18 =	sld [smem:$0x3FFB];
	_ =	sdelay $0x3  }
0x92: {  	_ =	strace s18  }
0x93: {  	s3 =	sld [smem:$0x3FFC];
	_ =	sdelay $0x3  }
0x94: {  	_ =	strace s3  }
0x95: {  	s3 =	sld [smem:$0x3FFD];
	_ =	sdelay $0x3  }
0x96: {  	_ =	strace s3  }
0x97: {  	_ =	strace $0x8FFFFFFF  }
0x98: {  	s19 =	sld [smem:$0x3FDB];
	_ =	sdelay $0x1  }
0x99: {  	s4 =	simm.s32 $_scs_section_size  }
0x9a: {  	s5 =	simm.s32 $_size__tile_overlayer_lowered;
	s6 =	simm.s32 $_tile_overlayer_lowered  }
0x9b: {  	s22 =	simm.s32 $0x1BFF;
	s21 =	sshll.u32 s6, $0x1;
	s3 =	sadd.s32 s4, s19  }
0x9c: {  	s7 =	simm.s32 $0x0;
	s20 =	sshll.u32 s5, $0x1;
	s5 =	sadd.s32 s21, s3  }
0x9d: {  	[timem:s7], [sflag:s22] =	dma.local [hbm:s5], s20  }
0x9e: {  	_ =	swait.ge [sflag:s22], s20  }
0x9f: {  	s4 =	ssub.s32 $0x0, s20;
	[sflag:s22] =	ssyncset.done $0x0  }
0xa0: {  	[sflag:s22] =	ssyncadd.s32 s4;
	_ =	sdelay $0x1  }
0xa1: {  	s23 =	simm.s32 $0x1B8B  }
0xa2: {  	_ =	swait.ge [sflag:s23], $0x1  }
0xa3: {  	[sflag:s23] =	ssyncset.done $0x0  }
0xa4: {  	s25 =	simm.s32 $0x1B8E;
	s24 =	sld [smem:$0x3FFE];
	[sflag:s23] =	ssyncadd.s32 $0xFFFFFFFF  }
0xa5: {  	s26 =	simm.s32 $execute0_lowered;
	[smem:$0x3FD2] =	sst s25  }
0xa6: {  	s5 =	sshll.u32 s26, $0x1;
	_ =	strace $0x80000049;
	[dreg:$0x1] =	wrdreg $0xFFFFFFFF  }
0xa7: {  	s28 =	simm.s32 $_size_execute0_lowered;
	s3 =	sadd.s32 s3, s5;
	[dreg:$0x0] =	wrdreg $0x0  }
0xa8: {  	s5 =	sshll.u32 s28, $0x1;
	[dreg:$0x2] =	wrdreg s3  }
0xa9: {  	[dreg:$0x3] =	wrdreg s5  }
0xaa: {  	[dreg:$0x4] =	wrdreg $0xC0  }
0xab: {  	_ =	task [dreg:s7], $0x5FFFF  }
0xac: {  	[dreg:$0x1] =	wrdreg $0xFFFFFFFF  }
0xad: {  	[dreg:$0x0] =	wrdreg $0x60  }
0xae: {  	[dreg:$0x2] =	wrdreg s2  }
0xaf: {  	[dreg:$0x3] =	wrdreg s24  }
0xb0: {  	[dreg:$0x4] =	wrdreg $0xA0000  }
0xb1: {  	[dreg:$0x5] =	wrdreg $0x9  }
0xb2: {  	_ =	task.clear_ibuf [dreg:s7], $0x6FFFF;
	_ =	strace $0x90000049  }
0xb3: {  	s29 =	simm.s32 $0x9;
	_ =	strace $0x8000004B  }
0xb4: {  	_ =	swait.ge [sflag:s29], $0x1  }
0xb5: {  	[sflag:s29] =	ssyncadd.s32 $0xFFFFFFFF  }
0xb6: {  	_ =	strace $0x9000004B  }
0xb7: {  	_ =	sfence  }
0xb8: {  	s30 =	sld [smem:$0x0];
	_ =	sdelay $0x2  }
0xb9: {  	s31 =	sshll.u32 s1, $0xD;
	s1 =	sshrl.u32 s1, $0x2  }
0xba: {  	s3 =	sand.u32 $0x4000, s31;
	s1 =	sadd.s32 s1, s30  }
0xbb: {  	s0 =	sor.u32 s3, s0;
	s1 =	sshll.u32 s1, $0x11  }
0xbc: {  	s0 =	sor.u32 s1, s0  }
0xbd: {  	s0 =	sadd.s32 $0x8F2B, s0  }
0xbe: {  	[sflag:s0] =	ssyncadd.remote.s32 $0x1  }
0xbf: {  	_ =	sfence.sel $0xFFFF  }
0xc0: {  	[dreg:$0x0] =	wrdreg $0xFFFFFFFF;
	(pc) =	sbr.abs _section_cstart, $3  }
0xc1: {  	[dreg:$0x1] =	wrdreg $0xFFFFFFFF  }
0xc2: {  	_ =	task.clear_ibuf [dreg:s7], $0x2FFFF;
	_ =	strace $0x9FFFFFFF  }
0xc3: {  	(tm) =	ssettm $0x7FFFFFFF  }
tec
execute0_lowered:
.L_overlay_start_1:
0x0: {  	(tag) =	ssettag $0x1  }
0x1: {  	s0 =	rddreg [dreg:$0x0]  }
0x2: {  	s5 =	rddreg [dreg:$0x1]  }
0x3: {  	s1 =	srdreg.scid;
	s3 =	rddreg [dreg:$0x2]  }
0x4: {  	s2 =	stileid.u32;
	s4 =	simm.s32 $0x0;
	s17 =	simm.s32 $0x3  }
0x5: {  	s18 =	simm.s32 $0x40;
	s19 =	simm.s32 $0x8000;
	s20 =	simm.s32 $0x1  }
0x6: {  	s21 =	simm.s32 $0x2;
	s22 =	simm.s32 $0x80;
	s7 =	smul.u32 $0x14000, s2  }
0x7: {  	s16 =	sand.u32 $0x1, s1;
	s1 =	rddreg [dreg:$0x3];
	s9 =	smul.u32 $0x600, s2  }
0x8: {  	[smem:$0x7FF] =	sst s4;
	s8 =	sshll.u32 s2, $0xA;
	s11 =	smul.u32 $0x50000, s2  }
0x9: {  	s6 =	smul.u32 $0x140000, s16;
	_ =	strace $0x8000004A;
	s8 =	sadd.s32 s8, s5  }
0xa: {  	s29 =	ssub.s32 $0x2, s16;
	p0 =	sne.s32 s16, $0x0;
	s16 =	simm.s32 $0x6000  }
0xb: {  	s28 =	sadd.s32 s9, s5;
	s30 =	sshrl.u32 s29, $0x1;
	s31 =	sshrl.u32 s11, $0x2  }
0xc: {  	s6 =	sadd.s32 s7, s6;
	s12 =	ssub.s32 s29, s30;
	s7 =	sadd.s32 $0x1E00, s8  }
0xd: {  	s8 =	sadd.s32 $0x5E00, s8;
	s9 =	sadd.s32 s31, s3;
	s6 =	sshrl.u32 s6, $0x3  }
0xe: {  	s11 =	smax.u32 s12, $0x1;
	s12 =	sadd.s32 $0x4000, s9;
	s13 =	sadd.s32 $0x8000, s9  }
0xf: {  	s14 =	sadd.s32 $0xC000, s9;
	s15 =	sadd.s32 $0x10000, s9;
	s10 =	sadd.s32 s6, s5  }
0x10: {  	v0 =	vimm.f32 $0.0e+00;
	s5 =	sadd.s32 $0x10600, s28;
	s6 =	sadd.s32 $0x9E00, s28;
	s10 =	sadd.s32 $0x16600, s10  }
.LBB2_1:
0x11: {  	s23 =	simm.s32 $0x0;
	s24 =	simm.s32 $0x200  }
.LBB2_2:
0x12: {  	p1 =	sne.s32 s24, $0xFE00;
	[tilespmem:s23+$0x6070] =	vst v0  }
0x13: {  	[tilespmem:s23+$0x6000] =	vst v0  }
0x14: {  	[tilespmem:s23+$0x6010] =	vst v0  }
.Ltmp0:
0x15: {  	[tilespmem:s23+$0x6020] =	vst v0;
	(pc) =	sbr.rel @p1 .LBB2_2-.Ltmp0, $4  }
0x16: {  	[tilespmem:s23+$0x6030] =	vst v0  }
0x17: {  	[tilespmem:s23+$0x6040] =	vst v0  }
0x18: {  	[tilespmem:s23+$0x6050] =	vst v0  }
0x19: {  	[tilespmem:s23+$0x6060] =	vst v0;
	s23 =	sshra.s32 s24, $0x2;
	s24 =	sadd.s32 $0x200, s24  }
0x1a: {  	[tilespmem:s23+$0x6070] =	vst v0  }
0x1b: {  	[tilespmem:s23+$0x6000] =	vst v0  }
0x1c: {  	[tilespmem:s23+$0x6010] =	vst v0  }
0x1d: {  	[tilespmem:s23+$0x6020] =	vst v0  }
0x1e: {  	[tilespmem:s23+$0x6030] =	vst v0  }
0x1f: {  	[tilespmem:s23+$0x6040] =	vst v0  }
0x20: {  	[tilespmem:s23+$0x6050] =	vst v0  }
0x21: {  	[tilespmem:s23+$0x6060] =	vst v0;
	s23 =	simm.s32 @p0 $0x0  }
0x22: {  	[tilespmem:s23], [sflag:$0x2] =	stream.linear.gather @p0 [hbm4b:s5+s23], $0x2E80, $0x38;
	[tilespmem:$0x1E000] =	vst v63  }
0x23: {  	s24 =	simm.s32 @p0 $0x3000  }
0x24: {  	[tilespmem:s24], [sflag:$0x2] =	stream.linear.gather @p0 [hbm4b:s6+s23], $0x2E80, $0x38;
	[tilespmem:$0x1E000] =	vst v63  }
0x25: {  	s23 =	simm.s32 @!p0 $0x0  }
0x26: {  	[tilespmem:s23], [sflag:$0x2] =	stream.linear.gather @!p0 [hbm4b:s7+s23], $0x2000, $0x38;
	[tilespmem:$0x1E000] =	vst v63  }
0x27: {  	s24 =	simm.s32 @!p0 $0x3000  }
0x28: {  	[tilespmem:s24], [sflag:$0x2] =	stream.linear.gather @!p0 [hbm4b:s8+s23], $0x2000, $0x38;
	[tilespmem:$0x1E000] =	vst v63  }
0x29: {  	_ = 	snop  }
0x2a: {  	[spmem:s9] =	stream.linear.scatter [tilespmem:s16], [sflag:$0x3], $0x4000, $0x38;
	[tilespmem:$0x1E000] =	vst v63  }
0x2b: {  	_ =	swait.ge [sflag:s17], $0x4000  }
0x2c: {  	[sflag:s17] =	ssyncset.done $0x0  }
0x2d: {  	[sflag:s17] =	ssyncadd.s32 $0xFFFFC000  }
0x2e: {  	[spmem:s12] =	stream.linear.scatter [tilespmem:s16], [sflag:$0x3], $0x4000, $0x38;
	[tilespmem:$0x1E000] =	vst v63  }
0x2f: {  	_ =	swait.ge [sflag:s17], $0x4000  }
0x30: {  	[sflag:s17] =	ssyncset.done $0x0  }
0x31: {  	[sflag:s17] =	ssyncadd.s32 $0xFFFFC000  }
0x32: {  	[spmem:s13] =	stream.linear.scatter [tilespmem:s16], [sflag:$0x3], $0x4000, $0x38;
	[tilespmem:$0x1E000] =	vst v63  }
0x33: {  	_ =	swait.ge [sflag:s17], $0x4000  }
0x34: {  	[sflag:s17] =	ssyncset.done $0x0  }
0x35: {  	[sflag:s17] =	ssyncadd.s32 $0xFFFFC000  }
0x36: {  	[spmem:s14] =	stream.linear.scatter [tilespmem:s16], [sflag:$0x3], $0x4000, $0x38;
	[tilespmem:$0x1E000] =	vst v63  }
0x37: {  	_ =	swait.ge [sflag:s17], $0x4000  }
0x38: {  	[sflag:s17] =	ssyncset.done $0x0  }
0x39: {  	[sflag:s17] =	ssyncadd.s32 $0xFFFFC000  }
0x3a: {  	[spmem:s15] =	stream.linear.scatter [tilespmem:s16], [sflag:$0x3], $0x4000, $0x38;
	[tilespmem:$0x1E000] =	vst v63  }
0x3b: {  	_ =	swait.ge [sflag:s17], $0x4000  }
0x3c: {  	[sflag:s17] =	ssyncset.done $0x0  }
0x3d: {  	s23 =	simm.s32 @p0 $0x2;
	[sflag:s17] =	ssyncadd.s32 $0xFFFFC000  }
0x3e: {  	_ =	swait.ge @p0 [sflag:s23], $0x2E80  }
0x3f: {  	[sflag:s23] =	ssyncset.done @p0 $0x0  }
0x40: {  	[sflag:s23] =	ssyncadd.s32 @p0 $0xFFFFD180  }
0x41: {  	_ =	swait.ge @p0 [sflag:s23], $0x2E80  }
0x42: {  	[sflag:s23] =	ssyncset.done @p0 $0x0  }
0x43: {  	[sflag:s23] =	ssyncadd.s32 @p0 $0xFFFFD180;
	s23 =	simm.s32 @!p0 $0x2  }
0x44: {  	s25 =	simm.s32 @!p0 $0x40;
	_ =	swait.ge @!p0 [sflag:s23], $0x2000  }
0x45: {  	s25 =	simm.s32 @p0 $0x5D;
	[sflag:s23] =	ssyncset.done @!p0 $0x0  }
0x46: {  	p2 =	sne.s32 s25, $0x1;
	[sflag:s23] =	ssyncadd.s32 @!p0 $0xFFFFE000  }
.Ltmp1:
0x47: {  	_ =	swait.ge @!p0 [sflag:s23], $0x2000;
	(pc) =	sbr.rel @!p2 .LBB2_4-.Ltmp1, $4  }
0x48: {  	[sflag:s23] =	ssyncset.done @!p0 $0x0  }
0x49: {  	[sflag:s23] =	ssyncadd.s32 @!p0 $0xFFFFE000  }
0x4a: {  	p1 =	por $0x0, $0x0;
	[bflag:$0x0] =	sbarrier.arrive $0xFFFF  }
0x4b: {  	s25 =	sadd.s32 $0xFFFFFFFF, s25;
	s24 =	simm.s32 $0x40;
	s23 =	simm.s32 $0x3000  }
0x4c: {  	s26 =	simm.s32 $0x0  }
0x4d: {  	[tilespmem:s16], [sflag:$0x1] =	stream.indirect.gather [hbm4b:s0+s18], $0x80, s26, s18, $0xb8;
	[tilespmem:$0x1E000] =	vst v63  }
0x4e: {  	_ = 	snop  }
0x4f: {  	[tilespmem:s19], [sflag:$0x2] =	stream.indirect.gather [hbm4b:s0+s18], $0x80, s24, s18, $0xb8;
	[tilespmem:$0x1E000] =	vst v63  }
0x50: {  	_ =	swait.ge [sflag:s20], $0x2000  }
0x51: {  	[sflag:s20] =	ssyncset.done $0x0  }
0x52: {  	[sflag:s20] =	ssyncadd.s32 $0xFFFFE000  }
0x53: {  	p2 =	sne.s32 s25, $0x1;
	_ =	swait.ge [sflag:s21], $0x2000  }
.Ltmp2:
0x54: {  	[sflag:s21] =	ssyncset.done $0x0;
	(pc) =	sbr.rel @!p2 .LBB2_6-.Ltmp2, $4  }
0x55: {  	[sflag:s21] =	ssyncadd.s32 $0xFFFFE000  }
0x56: {  	[spmem:s3] =	stream.indirect.scatter.add.f32 [tilespmem:s16], [sflag:$0x3], $0x80, s23, s22, $0xb8;
	[tilespmem:$0x1E000] =	vst v63  }
0x57: {  	p1 =	por $0x1, $0x1;
	s26 =	sadd.s32 $0xFFFFFFFF, s25;
	_ =	swait.ge [sflag:s17], $0x4000  }
0x58: {  	s25 =	simm.s32 $0x3000;
	s24 =	simm.s32 $0xC0;
	[sflag:s17] =	ssyncset.done $0x0  }
.LBB2_7:
0x59: {  	s28 =	sadd.s32 $0xFFFFFFC0, s24;
	[sflag:s17] =	ssyncadd.s32 $0xFFFFC000;
	s25 =	sadd.s32 $0x80, s25  }
0x5a: {  	[tilespmem:s16], [sflag:$0x1] =	stream.indirect.gather [hbm4b:s0+s18], $0x80, s28, s18, $0xb8;
	[tilespmem:$0x1E000] =	vst v63  }
0x5b: {  	p2 =	sne.s32 s26, $0x1;
	s26 =	sadd.s32 $0xFFFFFFFF, s26  }
0x5c: {  	[tilespmem:s19], [sflag:$0x2] =	stream.indirect.gather [hbm4b:s0+s18], $0x80, s24, s18, $0xb8;
	[tilespmem:$0x1E000] =	vst v63  }
0x5d: {  	_ =	swait.ge [sflag:s20], $0x2000  }
0x5e: {  	[sflag:s20] =	ssyncset.done $0x0  }
0x5f: {  	[sflag:s20] =	ssyncadd.s32 $0xFFFFE000  }
0x60: {  	_ =	swait.ge [sflag:s21], $0x2000  }
.Ltmp3:
0x61: {  	[sflag:s21] =	ssyncset.done $0x0;
	(pc) =	sbr.rel @p2 .LBB2_7-.Ltmp3, $4  }
0x62: {  	[sflag:s21] =	ssyncadd.s32 $0xFFFFE000  }
0x63: {  	[spmem:s3] =	stream.indirect.scatter.add.f32 [tilespmem:s16], [sflag:$0x3], $0x80, s25, s22, $0xb8;
	[tilespmem:$0x1E000] =	vst v63  }
0x64: {  	_ =	swait.ge [sflag:s17], $0x4000  }
0x65: {  	s24 =	sadd.s32 $0x80, s24;
	[sflag:s17] =	ssyncset.done $0x0  }
.LBB2_8:
0x66: {  	s26 =	sadd.s32 $0xFFFFFFC0, s24;
	[sflag:s17] =	ssyncadd.s32 @p1 $0xFFFFC000  }
0x67: {  	[tilespmem:s16], [sflag:$0x1] =	stream.indirect.gather [hbm4b:s0+s18], $0x80, s26, s18, $0xb8;
	[tilespmem:$0x1E000] =	vst v63  }
0x68: {  	_ = 	snop  }
0x69: {  	[tilespmem:s19], [sflag:$0x2] =	stream.indirect.gather [hbm4b:s0+s18], $0x80, s24, s18, $0xb8;
	[tilespmem:$0x1E000] =	vst v63  }
0x6a: {  	_ =	swait.ge [sflag:s20], $0x2000  }
0x6b: {  	[sflag:s20] =	ssyncset.done $0x0  }
0x6c: {  	[sflag:s20] =	ssyncadd.s32 $0xFFFFE000  }
0x6d: {  	_ =	swait.ge [sflag:s21], $0x2000  }
0x6e: {  	s24 =	sadd.s32 @p1 $0x80, s25;
	[sflag:s21] =	ssyncset.done $0x0  }
0x6f: {  	s23 =	smov.u32 @p1 s24;
	[sflag:s21] =	ssyncadd.s32 $0xFFFFE000  }
0x70: {  	[spmem:s3] =	stream.indirect.scatter.add.f32 [tilespmem:s16], [sflag:$0x3], $0x80, s23, s22, $0xb8;
	[tilespmem:$0x1E000] =	vst v63  }
0x71: {  	_ =	swait.ge [sflag:s17], $0x4000  }
0x72: {  	s30 =	sshll.u32 s2, $0x6;
	[sflag:s17] =	ssyncset.done $0x0  }
0x73: {  	s31 =	sshrl.u32 s9, $0x3;
	s4 =	sadd.s32 $0x1, s4;
	[sflag:s17] =	ssyncadd.s32 $0xFFFFC000  }
0x74: {  	p1 =	sne.s32 s4, s11;
	s23 =	sor.u32 $0x1C03, s30;
	[bflag:$0x0] =	sbarrier.arrive $0xFFFF  }
0x75: {  	[hbm:s10], [sflag:s23] =	dma.local [spmem:s31], $0x2800  }
.Ltmp4:
0x76: {  	_ = 	snop;
	(pc) =	sbr.rel @p1 .LBB2_1-.Ltmp4, $4  }
.Ltmp5:
0x77: {  	_ = 	snop;
	(pc) =	sbr.rel @!p1 .LBB2_9-.Ltmp5, $4  }
0x78: {  	_ =	swait.ge [sflag:s17], $0x2800  }
0x79: {  	[sflag:s17] =	ssyncset.done $0x0  }
0x7a: {  	[sflag:s17] =	ssyncadd.s32 $0xFFFFD800  }
0x7b: {  	_ = 	snop  }
.LBB2_4:
.Ltmp6:
0x7c: {  	(pc) =	sbr.rel .LBB2_8-.Ltmp6, $2  }
0x7d: {  	_ =	sdelay $0x2  }
0x7e: {  	s25 =	simm.s32 $0x3000  }
.LBB2_6:
.Ltmp7:
0x7f: {  	(pc) =	sbr.rel .LBB2_8-.Ltmp7, $2  }
0x80: {  	_ =	sdelay $0x2  }
0x81: {  	s25 =	simm.s32 $0x3000  }
.LBB2_9:
0x82: {  	_ =	sfence.sel $0x180000  }
0x83: {  	[bflag:$0x0] =	sbarrier.arrive $0xFFFF  }
0x84: {  	p0 =	sne.s32 s2, $0x0;
	_ =	strace $0x9000004A  }
0x85: {  	s0 =	sadd.s32 @!p0 $0x100000, s1;
	[bflag:$0x2] =	sbarrier.arrive $0xFFFF  }
0x86: {  	[sflag:s0] =	ssyncadd.tile.s32 @!p0 $0x1;
	_ =	shalt  }
.Lfunc_end2:
_tile_overlayer_lowered:
.L_overlay_start_2:
0x87: {  	(tag) =	ssettag $0x2  }
0x88: {  	s0 =	rddreg [dreg:$0x0];
	s2 =	stileid.u32  }
0x89: {  	s1 =	rddreg [dreg:$0x1];
	p0 =	sne.s32 s2, $0x0  }
0x8a: {  	s3 =	rddreg [dreg:$0x2];
	[bflag:$0x3] =	sbarrier.arrive $0xFFFF;
	s2 =	simm.s32 @!p0 $0x1C03  }
0x8b: {  	[timem:s3], [sflag:s2] =	dma.local @!p0 [hbm:s0], s1  }
0x8c: {  	s0 =	simm.s32 @!p0 $0x3  }
0x8d: {  	_ =	swait.ge @!p0 [sflag:s0], s1  }
0x8e: {  	s1 =	ssub.s32 @!p0 $0x0, s1;
	[sflag:s0] =	ssyncset.done @!p0 $0x0  }
0x8f: {  	[sflag:s0] =	ssyncadd.s32 @!p0 s1  }
0x90: {  	[bflag:$0x3] =	sbarrier.arrive $0xFFFF  }
0x91: {  	_ =	shalt  }

// kernel: kernel.7.cloned.1.call-start
scs
__scs_entry_jumppad:
0x0: {  	(pc) =	sbr.rel $0x88, $3  }
0x1: {  	(tag) =	ssettag $0x0;
	lr =	simm.s32 $0x1  }
0x2: {  	[smem:$0x3F9A] =	sst lr;
	_ =	strace $0xD0000000  }
0x3: {  	_ = 	snop  }
0x4: {  	_ = 	snop  }
0x5: {  	_ = 	snop  }
0x6: {  	_ = 	snop  }
0x7: {  	_ = 	snop  }
__scs_overlays_trampoline_lowered:
0x8: {  	[smem:$0x3FA9] =	sst s0  }
0x9: {  	[smem:$0x3FAA] =	sst s1  }
0xa: {  	[smem:$0x3FAB] =	sst s2  }
0xb: {  	[smem:$0x3FAC] =	sst s3  }
0xc: {  	[smem:$0x3FAD] =	sst s4  }
0xd: {  	[smem:$0x3FAE] =	sst s5  }
0xe: {  	[smem:$0x3FAF] =	sst s6  }
0xf: {  	[smem:$0x3FB0] =	sst s7  }
0x10: {  	[smem:$0x3FB1] =	sst s8  }
0x11: {  	[smem:$0x3FB2] =	sst s9;
	s0 =	simm.s32 @!p0 $0x0  }
0x12: {  	s1 =	sld [smem:$0x3F98];
	s0 =	simm.s32 @p0 $0x1  }
0x13: {  	[smem:$0x3FB3] =	sst s0;
	s0 =	simm.s32 @!p1 $0x0  }
0x14: {  	s2 =	sld [smem:$0x3F97];
	s0 =	simm.s32 @p1 $0x1  }
0x15: {  	[smem:$0x3FB4] =	sst s0;
	s0 =	simm.s32 @!p2 $0x0  }
0x16: {  	s3 =	sld [smem:$0x3FDB];
	s0 =	simm.s32 @p2 $0x1  }
0x17: {  	s4 =	simm.s32 $0x1BF5;
	[smem:$0x3FB6] =	sst s0  }
0x18: {  	s0 =	sld [smem:$0x3F99];
	_ =	swait.ge [sflag:s4], $0x0  }
0x19: {  	s7 =	sld [smem:$0x3F9A]  }
0x1a: {  	s8 =	sadd.s32 $0xFFFFE003, lr  }
0x1b: {  	s9 =	sadd.s32 $0xFFFFFEF7, lr;
	s5 =	simm.s32 $0xFFFFFFFF;
	p2 =	slt.u32 s8, $0xFFFFF086  }
0x1c: {  	p1 =	slt.u32 s9, $0xF7A;
	s5 =	simm.s32 @!p2 $0x0  }
0x1d: {  	s5 =	simm.s32 @p1 $0x1;
	p0 =	seq.s32 s7, s2  }
0x1e: {  	s7 =	smul.u32 @!p0 $0xF7A, s2;
	p2 =	seq.s32 @!p0 s5, $0x0  }
0x1f: {  	s9 =	smul.u32 $0xF7A, s1;
	s8 =	simm.s32 @!p0 $0x1BF5;
	p2 =	por !p2, p0  }
0x20: {  	[sflag:s8] =	ssyncset.s32 @!p0 $0xFFFFF086;
	s6 =	sadd.s32 @!p0 s3, s7;
	s7 =	simm.s32 @!p0 $0x108  }
0x21: {  	s3 =	sadd.s32 s3, s9;
	s6 =	sadd.s32 @!p0 $0x88, s6;
	s7 =	simm.s32 @p2 $0x1082  }
0x22: {  	[simem:s7], [sflag:s8] =	dma.local @!p0 [hbm:s6], $0xF7A  }
0x23: {  	s9 =	sor.u32 $0xD0000000, s2;
	s6 =	simm.s32 $0x108;
	_ =	swait.ge @!p0 [sflag:s8], $0x0  }
0x24: {  	s3 =	sadd.s32 $0x88, s3;
	s6 =	simm.s32 @!p1 $0x1082;
	[sflag:s4] =	ssyncset.s32 $0xFFFFF086  }
0x25: {  	[simem:s6], [sflag:s4] =	dma.local [hbm:s3], $0xF7A  }
0x26: {  	[smem:$0x3F9A] =	sst s1;
	(tag) =	ssettag s2;
	_ =	strace s9  }
0x27: {  	s1 =	sld [smem:$0x3FAA]  }
0x28: {  	s2 =	sld [smem:$0x3FAB]  }
0x29: {  	s4 =	sld [smem:$0x3FAD]  }
0x2a: {  	p0 =	seq.s32 s5, $0x0;
	s5 =	sld [smem:$0x3FAE]  }
0x2b: {  	s6 =	sld [smem:$0x3FAF]  }
0x2c: {  	s7 =	sld [smem:$0x3FB0]  }
0x2d: {  	s3 =	simm.s32 $0x108;
	s8 =	sld [smem:$0x3FB1]  }
0x2e: {  	s3 =	simm.s32 @!p0 $0x1082;
	s9 =	sld [smem:$0x3FB2]  }
0x2f: {  	lr =	sadd.s32 s0, s3;
	s0 =	sld [smem:$0x3FA9]  }
0x30: {  	s3 =	sld [smem:$0x3FAC]  }
0x31: {  	[smem:$0x3FB5] =	sst s10  }
0x32: {  	s10 =	sld [smem:$0x3FB3];
	_ =	sdelay $0x3  }
0x33: {  	p0 =	seq.s32 s10, $0x1;
	s10 =	sld [smem:$0x3FB5];
	_ =	sdelay $0x3  }
0x34: {  	[smem:$0x3FB5] =	sst s10  }
0x35: {  	s10 =	sld [smem:$0x3FB4];
	_ =	sdelay $0x3  }
0x36: {  	p1 =	seq.s32 s10, $0x1;
	s10 =	sld [smem:$0x3FB5];
	_ =	sdelay $0x3  }
0x37: {  	[smem:$0x3FB5] =	sst s10  }
0x38: {  	s10 =	sld [smem:$0x3FB6]  }
0x39: {  	_ = 	snop;
	(pc) =	sbr.ind lr, $3  }
0x3a: {  	_ = 	snop  }
0x3b: {  	_ = 	snop  }
0x3c: {  	p2 =	seq.s32 s10, $0x1;
	s10 =	sld [smem:$0x3FB5]  }
0x3d: {  	_ =	shalt  }
0x3e: {  	_ =	shalt  }
0x3f: {  	_ =	shalt  }
0x40: {  	_ =	shalt  }
0x41: {  	_ =	shalt  }
0x42: {  	_ =	shalt  }
0x43: {  	_ =	shalt  }
0x44: {  	_ =	shalt  }
0x45: {  	_ =	shalt  }
0x46: {  	_ =	shalt  }
0x47: {  	_ =	shalt  }
0x48: {  	_ =	shalt  }
0x49: {  	_ =	shalt  }
0x4a: {  	_ =	shalt  }
0x4b: {  	_ =	shalt  }
0x4c: {  	_ =	shalt  }
0x4d: {  	_ =	shalt  }
0x4e: {  	_ =	shalt  }
0x4f: {  	_ =	shalt  }
0x50: {  	_ =	shalt  }
0x51: {  	_ =	shalt  }
0x52: {  	_ =	shalt  }
0x53: {  	_ =	shalt  }
0x54: {  	_ =	shalt  }
0x55: {  	_ =	shalt  }
0x56: {  	_ =	shalt  }
0x57: {  	_ =	shalt  }
0x58: {  	_ =	shalt  }
0x59: {  	_ =	shalt  }
0x5a: {  	_ =	shalt  }
0x5b: {  	_ =	shalt  }
0x5c: {  	_ =	shalt  }
0x5d: {  	_ =	shalt  }
0x5e: {  	_ =	shalt  }
0x5f: {  	_ =	shalt  }
0x60: {  	_ =	shalt  }
0x61: {  	_ =	shalt  }
0x62: {  	_ =	shalt  }
0x63: {  	_ =	shalt  }
0x64: {  	_ =	shalt  }
0x65: {  	_ =	shalt  }
0x66: {  	_ =	shalt  }
0x67: {  	_ =	shalt  }
0x68: {  	_ =	shalt  }
0x69: {  	_ =	shalt  }
0x6a: {  	_ =	shalt  }
0x6b: {  	_ =	shalt  }
0x6c: {  	_ =	shalt  }
0x6d: {  	_ =	shalt  }
0x6e: {  	_ =	shalt  }
0x6f: {  	_ =	shalt  }
0x70: {  	_ =	shalt  }
0x71: {  	_ =	shalt  }
0x72: {  	_ =	shalt  }
0x73: {  	_ =	shalt  }
0x74: {  	_ =	shalt  }
0x75: {  	_ =	shalt  }
0x76: {  	_ =	shalt  }
0x77: {  	_ =	shalt  }
0x78: {  	_ =	shalt  }
0x79: {  	_ =	shalt  }
0x7a: {  	_ =	shalt  }
0x7b: {  	_ =	shalt  }
0x7c: {  	_ =	shalt  }
0x7d: {  	_ =	shalt  }
0x7e: {  	_ =	shalt  }
0x7f: {  	_ =	shalt  }
0x80: {  	_ =	shalt  }
0x81: {  	_ =	shalt  }
0x82: {  	_ =	shalt  }
0x83: {  	_ =	shalt  }
0x84: {  	_ =	shalt  }
0x85: {  	_ =	shalt  }
0x86: {  	_ =	shalt  }
0x87: {  	_ =	shalt  }
.Lfunc_end0:
.L_simem_size_0:
called_computation_lowered:
.L_overlay_start_0:
0x88: {  	s2 =	sld [smem:$0x3FD9]  }
0x89: {  	s3 =	sld [smem:$0x3FFE];
	_ =	sdelay $0x1  }
0x8a: {  	s1 =	srdreg.scid  }
0x8b: {  	s0 =	sand.u32 $0x1, s1  }
0x8c: {  	s17 =	sshll.u32 s0, $0xA;
	s2 =	sadd.s32 s3, s2  }
0x8d: {  	s2 =	sadd.s32 s2, s17  }
0x8e: {  	[smem:$0x3FC1] =	sst s2  }
0x8f: {  	_ = 	snop  }
0x90: {  	s2 =	sld [smem:$0x3FD0];
	(tm) =	ssettm $0x1  }
0x91: {  	s18 =	sld [smem:$0x3FFB];
	_ =	sdelay $0x3  }
0x92: {  	_ =	strace s18  }
0x93: {  	s3 =	sld [smem:$0x3FFC];
	_ =	sdelay $0x3  }
0x94: {  	_ =	strace s3  }
0x95: {  	s3 =	sld [smem:$0x3FFD];
	_ =	sdelay $0x3  }
0x96: {  	_ =	strace s3  }
0x97: {  	_ =	strace $0x8FFFFFFF  }
0x98: {  	s19 =	sld [smem:$0x3FDB];
	_ =	sdelay $0x1  }
0x99: {  	s4 =	simm.s32 $_scs_section_size  }
0x9a: {  	s5 =	simm.s32 $_size__tile_overlayer_lowered;
	s6 =	simm.s32 $_tile_overlayer_lowered  }
0x9b: {  	s22 =	simm.s32 $0x1BFF;
	s21 =	sshll.u32 s6, $0x1;
	s3 =	sadd.s32 s4, s19  }
0x9c: {  	s7 =	simm.s32 $0x0;
	s20 =	sshll.u32 s5, $0x1;
	s5 =	sadd.s32 s21, s3  }
0x9d: {  	[timem:s7], [sflag:s22] =	dma.local [hbm:s5], s20  }
0x9e: {  	_ =	swait.ge [sflag:s22], s20  }
0x9f: {  	s4 =	ssub.s32 $0x0, s20;
	[sflag:s22] =	ssyncset.done $0x0  }
0xa0: {  	[sflag:s22] =	ssyncadd.s32 s4;
	_ =	sdelay $0x1  }
0xa1: {  	s23 =	simm.s32 $0x1B8B  }
0xa2: {  	_ =	swait.ge [sflag:s23], $0x1  }
0xa3: {  	[sflag:s23] =	ssyncset.done $0x0  }
0xa4: {  	s25 =	simm.s32 $0x1B8E;
	s24 =	sld [smem:$0x3FFE];
	[sflag:s23] =	ssyncadd.s32 $0xFFFFFFFF  }
0xa5: {  	s26 =	simm.s32 $execute0_lowered;
	[smem:$0x3FD2] =	sst s25  }
0xa6: {  	s5 =	sshll.u32 s26, $0x1;
	_ =	strace $0x80000046;
	[dreg:$0x1] =	wrdreg $0xFFFFFFFF  }
0xa7: {  	s28 =	simm.s32 $_size_execute0_lowered;
	s3 =	sadd.s32 s3, s5;
	[dreg:$0x0] =	wrdreg $0x0  }
0xa8: {  	s5 =	sshll.u32 s28, $0x1;
	[dreg:$0x2] =	wrdreg s3  }
0xa9: {  	[dreg:$0x3] =	wrdreg s5  }
0xaa: {  	[dreg:$0x4] =	wrdreg $0xC0  }
0xab: {  	_ =	task [dreg:s7], $0x5FFFF  }
0xac: {  	[dreg:$0x1] =	wrdreg $0xFFFFFFFF  }
0xad: {  	[dreg:$0x0] =	wrdreg $0x60  }
0xae: {  	[dreg:$0x2] =	wrdreg s24  }
0xaf: {  	[dreg:$0x3] =	wrdreg s2  }
0xb0: {  	[dreg:$0x4] =	wrdreg $0x30800  }
0xb1: {  	[dreg:$0x5] =	wrdreg $0x9  }
0xb2: {  	_ =	task.clear_ibuf [dreg:s7], $0x6FFFF;
	_ =	strace $0x90000046  }
0xb3: {  	s29 =	simm.s32 $0x9;
	_ =	strace $0x80000048  }
0xb4: {  	_ =	swait.ge [sflag:s29], $0x1  }
0xb5: {  	[sflag:s29] =	ssyncadd.s32 $0xFFFFFFFF  }
0xb6: {  	_ =	strace $0x90000048  }
0xb7: {  	_ =	sfence  }
0xb8: {  	s30 =	sld [smem:$0x0];
	_ =	sdelay $0x2  }
0xb9: {  	s31 =	sshll.u32 s1, $0xD;
	s1 =	sshrl.u32 s1, $0x2  }
0xba: {  	s3 =	sand.u32 $0x4000, s31;
	s1 =	sadd.s32 s1, s30  }
0xbb: {  	s0 =	sor.u32 s3, s0;
	s1 =	sshll.u32 s1, $0x11  }
0xbc: {  	s0 =	sor.u32 s1, s0  }
0xbd: {  	s0 =	sadd.s32 $0x8F2B, s0  }
0xbe: {  	[sflag:s0] =	ssyncadd.remote.s32 $0x1  }
0xbf: {  	_ =	sfence.sel $0xFFFF  }
0xc0: {  	[dreg:$0x0] =	wrdreg $0xFFFFFFFF;
	(pc) =	sbr.abs _section_cstart, $3  }
0xc1: {  	[dreg:$0x1] =	wrdreg $0xFFFFFFFF  }
0xc2: {  	_ =	task.clear_ibuf [dreg:s7], $0x2FFFF;
	_ =	strace $0x9FFFFFFF  }
0xc3: {  	(tm) =	ssettm $0x7FFFFFFF  }
tec
execute0_lowered:
.L_overlay_start_1:
0x0: {  	(tag) =	ssettag $0x1  }
0x1: {  	s5 =	rddreg [dreg:$0x0]  }
0x2: {  	s9 =	rddreg [dreg:$0x1]  }
0x3: {  	s1 =	rddreg [dreg:$0x2]  }
0x4: {  	s0 =	rddreg [dreg:$0x3];
	s3 =	simm.s32 $0x0  }
0x5: {  	s2 =	stileid.u32;
	s7 =	srdreg.scid;
	s15 =	simm.s32 $0x20  }
0x6: {  	s16 =	simm.s32 $0x10;
	s17 =	simm.s32 $0x0;
	s6 =	smul.u32 $0x600, s2  }
0x7: {  	[smem:$0x7FF] =	sst s3;
	s4 =	sshll.u32 s2, $0xA;
	s10 =	smul.u32 $0x280, s2  }
0x8: {  	s11 =	sand.u32 $0x1, s7;
	s14 =	smul.u32 $0x500, s2;
	s30 =	sshll.u32 s2, $0x6  }
0x9: {  	_ =	strace $0x80000047;
	s8 =	sadd.s32 s4, s5;
	s4 =	sadd.s32 $0xFE00, s5  }
0xa: {  	s25 =	ssub.s32 $0x2, s11;
	s28 =	sshll.u32 s11, $0x7;
	p0 =	sne.s32 s11, $0x0  }
0xb: {  	s24 =	sadd.s32 s6, s5;
	s12 =	sshrl.u32 s10, $0x3;
	s13 =	sshrl.u32 s25, $0x1  }
0xc: {  	s29 =	sadd.s32 s10, s1;
	s14 =	sor.u32 s28, s14;
	s6 =	sor.u32 $0x1C01, s30  }
0xd: {  	s8 =	sadd.s32 $0x5E00, s8;
	s5 =	sadd.s32 s12, s5;
	s26 =	ssub.s32 s25, s13  }
0xe: {  	s31 =	sshrl.u32 s14, $0x3;
	s7 =	sadd.s32 $0x9E00, s24;
	s11 =	sshrl.u32 s29, $0x3  }
0xf: {  	s12 =	simm.s32 $0x1;
	s13 =	simm.s32 $0x3000;
	s14 =	simm.s32 $0x80  }
0x10: {  	s5 =	sadd.s32 $0x10000, s5;
	s9 =	sadd.s32 s9, s31;
	s10 =	smax.u32 s26, $0x1  }
.LBB2_1:
0x11: {  	[spmem:s11], [sflag:s6] =	dma.local [hbm:s5], $0x50  }
0x12: {  	_ =	swait.ge [sflag:s12], $0x50  }
0x13: {  	[sflag:s12] =	ssyncset.done $0x0  }
0x14: {  	[sflag:s12] =	ssyncadd.s32 $0xFFFFFFB0  }
0x15: {  	[tilespmem:s13], [sflag:$0x1] =	stream.linear.gather [hbm4b:s4+s3], $0x80, $0x38;
	[tilespmem:$0x3300] =	vst v63  }
0x16: {  	_ =	swait.ge [sflag:s12], $0x80  }
0x17: {  	[sflag:s12] =	ssyncset.done $0x0  }
0x18: {  	s18 =	simm.s32 @p0 $0x0;
	[sflag:s12] =	ssyncadd.s32 $0xFFFFFF80  }
0x19: {  	[tilespmem:s18], [sflag:$0x1] =	stream.linear.gather @p0 [hbm4b:s7+s18], $0x2E80, $0x38;
	[tilespmem:$0x3300] =	vst v63  }
0x1a: {  	s18 =	simm.s32 @p0 $0x1  }
0x1b: {  	_ =	swait.ge @p0 [sflag:s18], $0x2E80  }
0x1c: {  	[sflag:s18] =	ssyncset.done @p0 $0x0  }
0x1d: {  	[sflag:s18] =	ssyncadd.s32 @p0 $0xFFFFD180;
	s18 =	simm.s32 @!p0 $0x0  }
0x1e: {  	[tilespmem:s18], [sflag:$0x1] =	stream.linear.gather @!p0 [hbm4b:s8+s18], $0x2000, $0x38;
	[tilespmem:$0x3300] =	vst v63  }
0x1f: {  	s18 =	simm.s32 @!p0 $0x1  }
0x20: {  	_ =	swait.ge @!p0 [sflag:s18], $0x2000  }
0x21: {  	[sflag:s18] =	ssyncset.done @!p0 $0x0  }
0x22: {  	[sflag:s18] =	ssyncadd.s32 @!p0 $0xFFFFE000;
	s18 =	simm.s32 @!p0 $0x40  }
0x23: {  	s18 =	simm.s32 @p0 $0x5D  }
0x24: {  	p1 =	sne.s32 s18, $0x1  }
.Ltmp0:
0x25: {  	_ = 	snop;
	(pc) =	sbr.rel @!p1 .LBB2_3-.Ltmp0, $4  }
0x26: {  	[bflag:$0x0] =	sbarrier.arrive $0xFFFF  }
0x27: {  	[spmem:s1] =	stream.indirect.scatter.add.f32 [tilespmem:s13], [sflag:$0x1], $0x1, s3, s14, $0xb8;
	[tilespmem:$0x3300] =	vst v63  }
0x28: {  	_ =	swait.ge [sflag:s12], $0x80  }
0x29: {  	s19 =	simm.s32 $0x0;
	s18 =	sadd.s32 $0xFFFFFFFF, s18;
	[sflag:s12] =	ssyncset.done $0x0  }
.LBB2_2:
0x2a: {  	p1 =	sne.s32 s18, $0x1;
	[sflag:s12] =	ssyncadd.s32 $0xFFFFFF80;
	s19 =	sadd.s32 $0x80, s19  }
.Ltmp1:
0x2b: {  	s18 =	sadd.s32 $0xFFFFFFFF, s18;
	(pc) =	sbr.rel @p1 .LBB2_2-.Ltmp1, $4  }
0x2c: {  	_ = 	snop  }
0x2d: {  	[spmem:s1] =	stream.indirect.scatter.add.f32 [tilespmem:s13], [sflag:$0x1], $0x1, s19, s14, $0xb8;
	[tilespmem:$0x3300] =	vst v63  }
0x2e: {  	_ =	swait.ge [sflag:s12], $0x80  }
0x2f: {  	[sflag:s12] =	ssyncset.done $0x0  }
.LBB2_3:
0x30: {  	s17 =	sadd.s32 $0x1, s17  }
0x31: {  	[sflag:s12] =	ssyncadd.s32 $0xFFFFFF80;
	p1 =	sne.s32 s17, s10  }
.Ltmp2:
0x32: {  	[bflag:$0x0] =	sbarrier.arrive $0xFFFF;
	(pc) =	sbr.rel @p1 .LBB2_1-.Ltmp2, $4  }
0x33: {  	[hbm:s9@s15], [sflag:s6] =	dma.strided [spmem:s11@s16], $0x50, s12, $0x10   }
0x34: {  	_ =	swait.ge [sflag:s12], $0x50  }
0x35: {  	[sflag:s12] =	ssyncset.done $0x0  }
0x36: {  	[sflag:s12] =	ssyncadd.s32 $0xFFFFFFB0  }
0x37: {  	_ =	sfence.sel $0x180000  }
0x38: {  	[bflag:$0x0] =	sbarrier.arrive $0xFFFF  }
0x39: {  	p0 =	sne.s32 s2, $0x0;
	_ =	strace $0x90000047  }
0x3a: {  	s0 =	sadd.s32 @!p0 $0x100000, s0;
	[bflag:$0x2] =	sbarrier.arrive $0xFFFF  }
0x3b: {  	[sflag:s0] =	ssyncadd.tile.s32 @!p0 $0x1;
	_ =	shalt  }
.Lfunc_end2:
_tile_overlayer_lowered:
.L_overlay_start_2:
0x3c: {  	(tag) =	ssettag $0x2  }
0x3d: {  	s0 =	rddreg [dreg:$0x0];
	s2 =	stileid.u32  }
0x3e: {  	s1 =	rddreg [dreg:$0x1];
	p0 =	sne.s32 s2, $0x0  }
0x3f: {  	s3 =	rddreg [dreg:$0x2];
	[bflag:$0x3] =	sbarrier.arrive $0xFFFF;
	s2 =	simm.s32 @!p0 $0x1C01  }
0x40: {  	[timem:s3], [sflag:s2] =	dma.local @!p0 [hbm:s0], s1  }
0x41: {  	s0 =	simm.s32 @!p0 $0x1  }
0x42: {  	_ =	swait.ge @!p0 [sflag:s0], s1  }
0x43: {  	s1 =	ssub.s32 @!p0 $0x0, s1;
	[sflag:s0] =	ssyncset.done @!p0 $0x0  }
0x44: {  	[sflag:s0] =	ssyncadd.s32 @!p0 s1  }
0x45: {  	[bflag:$0x3] =	sbarrier.arrive $0xFFFF  }
0x46: {  	_ =	shalt  }

</sc_bundles>
